<compile_context>
chip_gen: v7x
topology: tpu7x:2x2x1
jax: 0.10.2.dev20260603
libtpu: 0.0.44.dev20260713+nightly
codegen_flags: <defaults>
</compile_context>

<pallas_src>
import functools

import jax
import jax.numpy as jnp
from jax import lax
from jax.experimental import pallas as pl
from jax.experimental.pallas import tpu as pltpu
from jax.experimental.pallas import tpu_sc as plsc

VOCAB = 100000
EMB_DIM = 300
PAD_DIM = 384
OUT_DIM = 2048
BATCH = 16384

NUM_CORES = 2
NUM_SUBCORES = 16
NW = NUM_CORES * NUM_SUBCORES
B_PER_W = BATCH // NW
CHUNK = 128
NCHUNK = B_PER_W // CHUNK


MAIN_DIM = 256
TAIL_DIM = 128


def _sc_gather_body(x_hbm, table_hbm, tail_hbm, emb_hbm, embt_hbm,
                    idx_v, rows_v, trows_v, sems, tsems):
    wid = lax.axis_index("s") * NUM_CORES + lax.axis_index("c")
    base = wid * B_PER_W

    def start(c):
        p = c % 2
        pltpu.sync_copy(x_hbm.at[pl.ds(base + c * CHUNK, CHUNK)], idx_v.at[p])
        m = pltpu.async_copy(
            table_hbm.at[idx_v.at[p], pl.ds(0, MAIN_DIM)], rows_v.at[p],
            sems.at[p])
        t = pltpu.async_copy(tail_hbm.at[idx_v.at[p]], trows_v.at[p],
                             tsems.at[p])
        return m, t

    m, t = start(0)
    for c in range(NCHUNK):
        if c + 1 < NCHUNK:
            m_nxt, t_nxt = start(c + 1)
        m.wait()
        t.wait()
        p = c % 2
        start_row = base + c * CHUNK
        pltpu.sync_copy(rows_v.at[p], emb_hbm.at[pl.ds(start_row, CHUNK)])
        pltpu.sync_copy(trows_v.at[p], embt_hbm.at[pl.ds(start_row, CHUNK)])
        if c + 1 < NCHUNK:
            m, t = m_nxt, t_nxt


@functools.cache
def _sc_gather():
    return pl.kernel(
        _sc_gather_body,
        out_type=(
            jax.ShapeDtypeStruct((BATCH, MAIN_DIM), jnp.float32),
            jax.ShapeDtypeStruct((BATCH, TAIL_DIM), jnp.float32),
        ),
        mesh=plsc.VectorSubcoreMesh(core_axis_name="c", subcore_axis_name="s"),
        scratch_types=[
            pltpu.VMEM((2, CHUNK), jnp.int32),
            pltpu.VMEM((2, CHUNK, MAIN_DIM), jnp.float32),
            pltpu.VMEM((2, CHUNK, TAIL_DIM), jnp.float32),
            pltpu.SemaphoreType.DMA((2,)),
            pltpu.SemaphoreType.DMA((2,)),
        ],
    )


BM = 1024


def _mm_body(emb_ref, embt_ref, w_ref, b_ref, out_ref):
    main = lax.dot_general(
        emb_ref[...], w_ref[:, :MAIN_DIM],
        dimension_numbers=(((1,), (1,)), ((), ())),
        preferred_element_type=jnp.float32,
    )
    tail = lax.dot_general(
        embt_ref[:, TAIL_DIM - (EMB_DIM - MAIN_DIM):], w_ref[:, MAIN_DIM:],
        dimension_numbers=(((1,), (1,)), ((), ())),
        preferred_element_type=jnp.float32,
    )
    out_ref[...] = main + tail + b_ref[...]


def _tc_matmul(emb, embt, W, b):
    return pl.pallas_call(
        _mm_body,
        grid=(BATCH // BM,),
        in_specs=[
            pl.BlockSpec((BM, MAIN_DIM), lambda i: (i, 0)),
            pl.BlockSpec((BM, TAIL_DIM), lambda i: (i, 0)),
            pl.BlockSpec((OUT_DIM, EMB_DIM), lambda i: (0, 0)),
            pl.BlockSpec((1, OUT_DIM), lambda i: (0, 0)),
        ],
        out_specs=pl.BlockSpec((BM, OUT_DIM), lambda i: (i, 0)),
        out_shape=jax.ShapeDtypeStruct((BATCH, OUT_DIM), jnp.float32),
    )(emb, embt, W, b.reshape(1, OUT_DIM))


def kernel(x, table, W, b):
    tail_tab = jax.lax.slice(table, (0, EMB_DIM - TAIL_DIM), (VOCAB, EMB_DIM))
    emb, embt = _sc_gather()(x, table, tail_tab)
    return _tc_matmul(emb, embt, W, b)

# --- scband reference (transcript-rebuilt; emitter-appended) ---
"""Pipeline reference for scband-embedding-net-text-14070312862459 (READ-ONLY COPY).

The authoritative reference and input builder live on the scoring server;
editing this copy changes nothing except your own understanding.
"""

import jax, jax.numpy as jnp
import numpy as np

VOCAB = 100000
EMB_DIM = 300
OUT_DIM = 2048
BATCH = 16384


def setup_inputs(seed: int = 0) -> dict:
    key = jax.random.key(seed)
    k1, k2, k3, k4 = jax.random.split(key, 4)
    x = jax.random.randint(k1, (BATCH,), 0, VOCAB, dtype=jnp.int64 if jax.config.jax_enable_x64 else jnp.int32).astype(jnp.int32)
    table = jax.random.normal(k2, (VOCAB, EMB_DIM), dtype=jnp.float32) * 0.02
    # nn.Linear(300, 2048): weight [out, in], bias [out]
    limit = 1.0 / np.sqrt(EMB_DIM)
    W = jax.random.uniform(k3, (OUT_DIM, EMB_DIM), dtype=jnp.float32, minval=-limit, maxval=limit)
    b = jax.random.uniform(k4, (OUT_DIM,), dtype=jnp.float32, minval=-limit, maxval=limit)
    return {"x": x, "table": table, "W": W, "b": b}


def reference(x, table, W, b):
    # self.model[x] -> FastText word-vector lookup == embedding gather
    emb = jnp.take(table, x, axis=0)            # [B, 300]
    # self.fc(output) -> Linear(300, 2048)
    out = emb @ W.T + b                          # [B, 2048]
    return out

if __name__ == "__main__":
    import jax
    _d = setup_inputs()
    print(jax.jit(kernel)(*tuple(_d.values())))

</pallas_src>

<mosaic_0001>
#map = affine_map<(d0, d1) -> (0)>
#map1 = affine_map<(d0, d1) -> (0, 0)>
module attributes {stable_mosaic.version = 14 : i64} {
  func.func @_sc_gather_body(%arg0: i32, %arg1: i32, %arg2: memref<16384xi32, #tpu.memory_space<hbm>>, %arg3: memref<100000x300xf32, #tpu.memory_space<hbm>>, %arg4: memref<100000x128xf32, #tpu.memory_space<hbm>>, %arg5: memref<16384x256xf32, #tpu.memory_space<hbm>>, %arg6: memref<16384x128xf32, #tpu.memory_space<hbm>>, %arg7: memref<2x128xi32, #tpu.memory_space<vmem>>, %arg8: memref<2x128x256xf32, #tpu.memory_space<vmem>>, %arg9: memref<2x128x128xf32, #tpu.memory_space<vmem>>, %arg10: memref<2x!tpu.dma_semaphore, #tpu.memory_space<semaphore_mem>>, %arg11: memref<2x!tpu.dma_semaphore, #tpu.memory_space<semaphore_mem>>) attributes {dimension_semantics = [#tpu.dimension_semantics<core_parallel>, #tpu.dimension_semantics<subcore_parallel>], iteration_bounds = array<i64: 2, 16>, scalar_prefetch = 0 : i64, scratch_operands = 5 : i64, tpu.core_type = #tpu.core_type<sc_vector_subcore>, window_params = [{transform_indices = #map}, {transform_indices = #map1}, {transform_indices = #map1}, {transform_indices = #map1}, {transform_indices = #map1}]} {
    %mul3A = arith.constant 2 : i32
    %mul3A_0 = arith.muli %arg1, %mul3A : i32
    %add3A = arith.addi %mul3A_0, %arg0 : i32
    %mul3A_1 = arith.constant 512 : i32
    %mul3A_2 = arith.muli %add3A, %mul3A_1 : i32
    %add3A_3 = arith.constant 0 : i32
    %add3A_4 = arith.addi %mul3A_2, %add3A_3 : i32
    %run_scoped3A = arith.constant 0 : i32
    "tpu.region"() ({
      %run_scoped3A_268 = tpu.sem_alloc : memref<!tpu.dma_semaphore, #tpu.memory_space<semaphore_mem>>
      %dma_start3A_269 = arith.constant 0 : i32
      %dma_start3A_270 = tpu.memref_slice %arg7[%run_scoped3A, %dma_start3A_269] : memref<2x128xi32, #tpu.memory_space<vmem>> -> memref<1x128xi32, #tpu.memory_space<vmem>>
      %dma_start3A_271 = tpu.memref_squeeze %dma_start3A_270 : memref<1x128xi32, #tpu.memory_space<vmem>> -> memref<128xi32, #tpu.memory_space<vmem>>
      %dma_start3A_272 = tpu.memref_slice %arg2[%add3A_4] : memref<16384xi32, #tpu.memory_space<hbm>> -> memref<128xi32, #tpu.memory_space<hbm>>
      %dma_start3A_273 = arith.constant 0 : i32
      %dma_start3A_274 = tpu.memref_slice %arg7[%run_scoped3A, %dma_start3A_273] : memref<2x128xi32, #tpu.memory_space<vmem>> -> memref<1x128xi32, #tpu.memory_space<vmem>>
      %dma_start3A_275 = tpu.memref_squeeze %dma_start3A_274 : memref<1x128xi32, #tpu.memory_space<vmem>> -> memref<128xi32, #tpu.memory_space<vmem>>
      %dma_start3A_276 = tpu.memref_slice %arg2[%add3A_4] : memref<16384xi32, #tpu.memory_space<hbm>> -> memref<128xi32, #tpu.memory_space<hbm>>
      tpu.enqueue_dma source(%dma_start3A_276 : memref<128xi32, #tpu.memory_space<hbm>>) target(%dma_start3A_275 : memref<128xi32, #tpu.memory_space<vmem>>) target_semaphore(%run_scoped3A_268 : memref<!tpu.dma_semaphore, #tpu.memory_space<semaphore_mem>>)
      %dma_wait3A_277 = arith.constant 0 : i32
      %dma_wait3A_278 = tpu.memref_slice %arg7[%run_scoped3A, %dma_wait3A_277] : memref<2x128xi32, #tpu.memory_space<vmem>> -> memref<1x128xi32, #tpu.memory_space<vmem>>
      %dma_wait3A_279 = tpu.memref_squeeze %dma_wait3A_278 : memref<1x128xi32, #tpu.memory_space<vmem>> -> memref<128xi32, #tpu.memory_space<vmem>>
      %dma_wait3A_280 = tpu.memref_slice %arg2[%add3A_4] : memref<16384xi32, #tpu.memory_space<hbm>> -> memref<128xi32, #tpu.memory_space<hbm>>
      %dma_wait3A_281 = arith.constant 0 : i32
      %dma_wait3A_282 = tpu.memref_slice %arg7[%run_scoped3A, %dma_wait3A_281] : memref<2x128xi32, #tpu.memory_space<vmem>> -> memref<1x128xi32, #tpu.memory_space<vmem>>
      %dma_wait3A_283 = tpu.memref_squeeze %dma_wait3A_282 : memref<1x128xi32, #tpu.memory_space<vmem>> -> memref<128xi32, #tpu.memory_space<vmem>>
      %dma_wait3A_284 = tpu.memref_slice %arg2[%add3A_4] : memref<16384xi32, #tpu.memory_space<hbm>> -> memref<128xi32, #tpu.memory_space<hbm>>
      tpu.wait_dma2 semaphore(%run_scoped3A_268 : memref<!tpu.dma_semaphore, #tpu.memory_space<semaphore_mem>>) src(%dma_wait3A_284 : memref<128xi32, #tpu.memory_space<hbm>>) dst(%dma_wait3A_283 : memref<128xi32, #tpu.memory_space<vmem>>)
      tpu.yield
    }) : () -> ()
    %dma_start3A = arith.constant 0 : i32
    %dma_start3A_5 = arith.constant 0 : i32
    %dma_start3A_6 = arith.constant 0 : i32
    %dma_start3A_7 = arith.constant 0 : i32
    %dma_start3A_8 = arith.constant 0 : i32
    %dma_start3A_9 = tpu.memref_slice %arg8[%dma_start3A_5, %dma_start3A_7, %dma_start3A_8] : memref<2x128x256xf32, #tpu.memory_space<vmem>> -> memref<1x128x256xf32, #tpu.memory_space<vmem>>
    %dma_start3A_10 = tpu.memref_squeeze %dma_start3A_9 : memref<1x128x256xf32, #tpu.memory_space<vmem>> -> memref<128x256xf32, #tpu.memory_space<vmem>>
    %dma_start3A_11 = arith.constant 0 : i32
    %dma_start3A_12 = tpu.memref_slice %arg7[%dma_start3A, %dma_start3A_11] : memref<2x128xi32, #tpu.memory_space<vmem>> -> memref<1x128xi32, #tpu.memory_space<vmem>>
    %dma_start3A_13 = tpu.memref_squeeze %dma_start3A_12 : memref<1x128xi32, #tpu.memory_space<vmem>> -> memref<128xi32, #tpu.memory_space<vmem>>
    %dma_start3A_14 = arith.constant 0 : i32
    %dma_start3A_15 = arith.constant 0 : i32
    %dma_start3A_16 = tpu.memref_slice %arg3[%dma_start3A_14, %dma_start3A_15] : memref<100000x300xf32, #tpu.memory_space<hbm>> -> memref<100000x256xf32, #tpu.memory_space<hbm>>
    %dma_start3A_17 = tpu.memref_slice %arg10[%dma_start3A_6] : memref<2x!tpu.dma_semaphore, #tpu.memory_space<semaphore_mem>> -> memref<1x!tpu.dma_semaphore, #tpu.memory_space<semaphore_mem>>
    %dma_start3A_18 = tpu.memref_squeeze %dma_start3A_17 : memref<1x!tpu.dma_semaphore, #tpu.memory_space<semaphore_mem>> -> memref<!tpu.dma_semaphore, #tpu.memory_space<semaphore_mem>>
    tpu.enqueue_indirect_dma source(%dma_start3A_16 : memref<100000x256xf32, #tpu.memory_space<hbm>>) target(%dma_start3A_10 : memref<128x256xf32, #tpu.memory_space<vmem>>) offsets(%dma_start3A_13 : memref<128xi32, #tpu.memory_space<vmem>>) semaphore(%dma_start3A_18 : memref<!tpu.dma_semaphore, #tpu.memory_space<semaphore_mem>>)
    %dma_start3A_19 = arith.constant 0 : i32
    %dma_start3A_20 = arith.constant 0 : i32
    %dma_start3A_21 = arith.constant 0 : i32
    %dma_start3A_22 = arith.constant 0 : i32
    %dma_start3A_23 = arith.constant 0 : i32
    %dma_start3A_24 = tpu.memref_slice %arg9[%dma_start3A_20, %dma_start3A_22, %dma_start3A_23] : memref<2x128x128xf32, #tpu.memory_space<vmem>> -> memref<1x128x128xf32, #tpu.memory_space<vmem>>
    %dma_start3A_25 = tpu.memref_squeeze %dma_start3A_24 : memref<1x128x128xf32, #tpu.memory_space<vmem>> -> memref<128x128xf32, #tpu.memory_space<vmem>>
    %dma_start3A_26 = arith.constant 0 : i32
    %dma_start3A_27 = tpu.memref_slice %arg7[%dma_start3A_19, %dma_start3A_26] : memref<2x128xi32, #tpu.memory_space<vmem>> -> memref<1x128xi32, #tpu.memory_space<vmem>>
    %dma_start3A_28 = tpu.memref_squeeze %dma_start3A_27 : memref<1x128xi32, #tpu.memory_space<vmem>> -> memref<128xi32, #tpu.memory_space<vmem>>
    %dma_start3A_29 = arith.constant 0 : i32
    %dma_start3A_30 = arith.constant 0 : i32
    %dma_start3A_31 = tpu.memref_slice %arg4[%dma_start3A_29, %dma_start3A_30] : memref<100000x128xf32, #tpu.memory_space<hbm>> -> memref<100000x128xf32, #tpu.memory_space<hbm>>
    %dma_start3A_32 = tpu.memref_slice %arg11[%dma_start3A_21] : memref<2x!tpu.dma_semaphore, #tpu.memory_space<semaphore_mem>> -> memref<1x!tpu.dma_semaphore, #tpu.memory_space<semaphore_mem>>
    %dma_start3A_33 = tpu.memref_squeeze %dma_start3A_32 : memref<1x!tpu.dma_semaphore, #tpu.memory_space<semaphore_mem>> -> memref<!tpu.dma_semaphore, #tpu.memory_space<semaphore_mem>>
    tpu.enqueue_indirect_dma source(%dma_start3A_31 : memref<100000x128xf32, #tpu.memory_space<hbm>>) target(%dma_start3A_25 : memref<128x128xf32, #tpu.memory_space<vmem>>) offsets(%dma_start3A_28 : memref<128xi32, #tpu.memory_space<vmem>>) semaphore(%dma_start3A_33 : memref<!tpu.dma_semaphore, #tpu.memory_space<semaphore_mem>>)
    %add3A_34 = arith.constant 128 : i32
    %add3A_35 = arith.addi %mul3A_2, %add3A_34 : i32
    %run_scoped3A_36 = arith.constant 1 : i32
    "tpu.region"() ({
      %run_scoped3A_268 = tpu.sem_alloc : memref<!tpu.dma_semaphore, #tpu.memory_space<semaphore_mem>>
      %dma_start3A_269 = arith.constant 0 : i32
      %dma_start3A_270 = tpu.memref_slice %arg7[%run_scoped3A_36, %dma_start3A_269] : memref<2x128xi32, #tpu.memory_space<vmem>> -> memref<1x128xi32, #tpu.memory_space<vmem>>
      %dma_start3A_271 = tpu.memref_squeeze %dma_start3A_270 : memref<1x128xi32, #tpu.memory_space<vmem>> -> memref<128xi32, #tpu.memory_space<vmem>>
      %dma_start3A_272 = tpu.memref_slice %arg2[%add3A_35] : memref<16384xi32, #tpu.memory_space<hbm>> -> memref<128xi32, #tpu.memory_space<hbm>>
      %dma_start3A_273 = arith.constant 0 : i32
      %dma_start3A_274 = tpu.memref_slice %arg7[%run_scoped3A_36, %dma_start3A_273] : memref<2x128xi32, #tpu.memory_space<vmem>> -> memref<1x128xi32, #tpu.memory_space<vmem>>
      %dma_start3A_275 = tpu.memref_squeeze %dma_start3A_274 : memref<1x128xi32, #tpu.memory_space<vmem>> -> memref<128xi32, #tpu.memory_space<vmem>>
      %dma_start3A_276 = tpu.memref_slice %arg2[%add3A_35] : memref<16384xi32, #tpu.memory_space<hbm>> -> memref<128xi32, #tpu.memory_space<hbm>>
      tpu.enqueue_dma source(%dma_start3A_276 : memref<128xi32, #tpu.memory_space<hbm>>) target(%dma_start3A_275 : memref<128xi32, #tpu.memory_space<vmem>>) target_semaphore(%run_scoped3A_268 : memref<!tpu.dma_semaphore, #tpu.memory_space<semaphore_mem>>)
      %dma_wait3A_277 = arith.constant 0 : i32
      %dma_wait3A_278 = tpu.memref_slice %arg7[%run_scoped3A_36, %dma_wait3A_277] : memref<2x128xi32, #tpu.memory_space<vmem>> -> memref<1x128xi32, #tpu.memory_space<vmem>>
      %dma_wait3A_279 = tpu.memref_squeeze %dma_wait3A_278 : memref<1x128xi32, #tpu.memory_space<vmem>> -> memref<128xi32, #tpu.memory_space<vmem>>
      %dma_wait3A_280 = tpu.memref_slice %arg2[%add3A_35] : memref<16384xi32, #tpu.memory_space<hbm>> -> memref<128xi32, #tpu.memory_space<hbm>>
      %dma_wait3A_281 = arith.constant 0 : i32
      %dma_wait3A_282 = tpu.memref_slice %arg7[%run_scoped3A_36, %dma_wait3A_281] : memref<2x128xi32, #tpu.memory_space<vmem>> -> memref<1x128xi32, #tpu.memory_space<vmem>>
      %dma_wait3A_283 = tpu.memref_squeeze %dma_wait3A_282 : memref<1x128xi32, #tpu.memory_space<vmem>> -> memref<128xi32, #tpu.memory_space<vmem>>
      %dma_wait3A_284 = tpu.memref_slice %arg2[%add3A_35] : memref<16384xi32, #tpu.memory_space<hbm>> -> memref<128xi32, #tpu.memory_space<hbm>>
      tpu.wait_dma2 semaphore(%run_scoped3A_268 : memref<!tpu.dma_semaphore, #tpu.memory_space<semaphore_mem>>) src(%dma_wait3A_284 : memref<128xi32, #tpu.memory_space<hbm>>) dst(%dma_wait3A_283 : memref<128xi32, #tpu.memory_space<vmem>>)
      tpu.yield
    }) : () -> ()
    %dma_start3A_37 = arith.constant 1 : i32
    %dma_start3A_38 = arith.constant 1 : i32
    %dma_start3A_39 = arith.constant 1 : i32
    %dma_start3A_40 = arith.constant 0 : i32
    %dma_start3A_41 = arith.constant 0 : i32
    %dma_start3A_42 = tpu.memref_slice %arg8[%dma_start3A_38, %dma_start3A_40, %dma_start3A_41] : memref<2x128x256xf32, #tpu.memory_space<vmem>> -> memref<1x128x256xf32, #tpu.memory_space<vmem>>
    %dma_start3A_43 = tpu.memref_squeeze %dma_start3A_42 : memref<1x128x256xf32, #tpu.memory_space<vmem>> -> memref<128x256xf32, #tpu.memory_space<vmem>>
    %dma_start3A_44 = arith.constant 0 : i32
    %dma_start3A_45 = tpu.memref_slice %arg7[%dma_start3A_37, %dma_start3A_44] : memref<2x128xi32, #tpu.memory_space<vmem>> -> memref<1x128xi32, #tpu.memory_space<vmem>>
    %dma_start3A_46 = tpu.memref_squeeze %dma_start3A_45 : memref<1x128xi32, #tpu.memory_space<vmem>> -> memref<128xi32, #tpu.memory_space<vmem>>
    %dma_start3A_47 = arith.constant 0 : i32
    %dma_start3A_48 = arith.constant 0 : i32
    %dma_start3A_49 = tpu.memref_slice %arg3[%dma_start3A_47, %dma_start3A_48] : memref<100000x300xf32, #tpu.memory_space<hbm>> -> memref<100000x256xf32, #tpu.memory_space<hbm>>
    %dma_start3A_50 = tpu.memref_slice %arg10[%dma_start3A_39] : memref<2x!tpu.dma_semaphore, #tpu.memory_space<semaphore_mem>> -> memref<1x!tpu.dma_semaphore, #tpu.memory_space<semaphore_mem>>
    %dma_start3A_51 = tpu.memref_squeeze %dma_start3A_50 : memref<1x!tpu.dma_semaphore, #tpu.memory_space<semaphore_mem>> -> memref<!tpu.dma_semaphore, #tpu.memory_space<semaphore_mem>>
    tpu.enqueue_indirect_dma source(%dma_start3A_49 : memref<100000x256xf32, #tpu.memory_space<hbm>>) target(%dma_start3A_43 : memref<128x256xf32, #tpu.memory_space<vmem>>) offsets(%dma_start3A_46 : memref<128xi32, #tpu.memory_space<vmem>>) semaphore(%dma_start3A_51 : memref<!tpu.dma_semaphore, #tpu.memory_space<semaphore_mem>>)
    %dma_start3A_52 = arith.constant 1 : i32
    %dma_start3A_53 = arith.constant 1 : i32
    %dma_start3A_54 = arith.constant 1 : i32
    %dma_start3A_55 = arith.constant 0 : i32
    %dma_start3A_56 = arith.constant 0 : i32
    %dma_start3A_57 = tpu.memref_slice %arg9[%dma_start3A_53, %dma_start3A_55, %dma_start3A_56] : memref<2x128x128xf32, #tpu.memory_space<vmem>> -> memref<1x128x128xf32, #tpu.memory_space<vmem>>
    %dma_start3A_58 = tpu.memref_squeeze %dma_start3A_57 : memref<1x128x128xf32, #tpu.memory_space<vmem>> -> memref<128x128xf32, #tpu.memory_space<vmem>>
    %dma_start3A_59 = arith.constant 0 : i32
    %dma_start3A_60 = tpu.memref_slice %arg7[%dma_start3A_52, %dma_start3A_59] : memref<2x128xi32, #tpu.memory_space<vmem>> -> memref<1x128xi32, #tpu.memory_space<vmem>>
    %dma_start3A_61 = tpu.memref_squeeze %dma_start3A_60 : memref<1x128xi32, #tpu.memory_space<vmem>> -> memref<128xi32, #tpu.memory_space<vmem>>
    %dma_start3A_62 = arith.constant 0 : i32
    %dma_start3A_63 = arith.constant 0 : i32
    %dma_start3A_64 = tpu.memref_slice %arg4[%dma_start3A_62, %dma_start3A_63] : memref<100000x128xf32, #tpu.memory_space<hbm>> -> memref<100000x128xf32, #tpu.memory_space<hbm>>
    %dma_start3A_65 = tpu.memref_slice %arg11[%dma_start3A_54] : memref<2x!tpu.dma_semaphore, #tpu.memory_space<semaphore_mem>> -> memref<1x!tpu.dma_semaphore, #tpu.memory_space<semaphore_mem>>
    %dma_start3A_66 = tpu.memref_squeeze %dma_start3A_65 : memref<1x!tpu.dma_semaphore, #tpu.memory_space<semaphore_mem>> -> memref<!tpu.dma_semaphore, #tpu.memory_space<semaphore_mem>>
    tpu.enqueue_indirect_dma source(%dma_start3A_64 : memref<100000x128xf32, #tpu.memory_space<hbm>>) target(%dma_start3A_58 : memref<128x128xf32, #tpu.memory_space<vmem>>) offsets(%dma_start3A_61 : memref<128xi32, #tpu.memory_space<vmem>>) semaphore(%dma_start3A_66 : memref<!tpu.dma_semaphore, #tpu.memory_space<semaphore_mem>>)
    %dma_wait3A = arith.constant 0 : i32
    %dma_wait3A_67 = arith.constant 0 : i32
    %dma_wait3A_68 = arith.constant 0 : i32
    %dma_wait3A_69 = arith.constant 0 : i32
    %dma_wait3A_70 = arith.constant 0 : i32
    %dma_wait3A_71 = tpu.memref_slice %arg8[%dma_wait3A_67, %dma_wait3A_69, %dma_wait3A_70] : memref<2x128x256xf32, #tpu.memory_space<vmem>> -> memref<1x128x256xf32, #tpu.memory_space<vmem>>
    %dma_wait3A_72 = tpu.memref_squeeze %dma_wait3A_71 : memref<1x128x256xf32, #tpu.memory_space<vmem>> -> memref<128x256xf32, #tpu.memory_space<vmem>>
    %dma_wait3A_73 = arith.constant 0 : i32
    %dma_wait3A_74 = tpu.memref_slice %arg7[%dma_wait3A, %dma_wait3A_73] : memref<2x128xi32, #tpu.memory_space<vmem>> -> memref<1x128xi32, #tpu.memory_space<vmem>>
    %dma_wait3A_75 = tpu.memref_squeeze %dma_wait3A_74 : memref<1x128xi32, #tpu.memory_space<vmem>> -> memref<128xi32, #tpu.memory_space<vmem>>
    %dma_wait3A_76 = arith.constant 0 : i32
    %dma_wait3A_77 = arith.constant 0 : i32
    %dma_wait3A_78 = tpu.memref_slice %arg3[%dma_wait3A_76, %dma_wait3A_77] : memref<100000x300xf32, #tpu.memory_space<hbm>> -> memref<100000x256xf32, #tpu.memory_space<hbm>>
    %dma_wait3A_79 = tpu.memref_slice %arg10[%dma_wait3A_68] : memref<2x!tpu.dma_semaphore, #tpu.memory_space<semaphore_mem>> -> memref<1x!tpu.dma_semaphore, #tpu.memory_space<semaphore_mem>>
    %dma_wait3A_80 = tpu.memref_squeeze %dma_wait3A_79 : memref<1x!tpu.dma_semaphore, #tpu.memory_space<semaphore_mem>> -> memref<!tpu.dma_semaphore, #tpu.memory_space<semaphore_mem>>
    tpu.wait_indirect_dma semaphore(%dma_wait3A_80 : memref<!tpu.dma_semaphore, #tpu.memory_space<semaphore_mem>>) src(%dma_wait3A_78 : memref<100000x256xf32, #tpu.memory_space<hbm>>) dst(%dma_wait3A_72 : memref<128x256xf32, #tpu.memory_space<vmem>>)
    %dma_wait3A_81 = arith.constant 0 : i32
    %dma_wait3A_82 = arith.constant 0 : i32
    %dma_wait3A_83 = arith.constant 0 : i32
    %dma_wait3A_84 = arith.constant 0 : i32
    %dma_wait3A_85 = arith.constant 0 : i32
    %dma_wait3A_86 = tpu.memref_slice %arg9[%dma_wait3A_82, %dma_wait3A_84, %dma_wait3A_85] : memref<2x128x128xf32, #tpu.memory_space<vmem>> -> memref<1x128x128xf32, #tpu.memory_space<vmem>>
    %dma_wait3A_87 = tpu.memref_squeeze %dma_wait3A_86 : memref<1x128x128xf32, #tpu.memory_space<vmem>> -> memref<128x128xf32, #tpu.memory_space<vmem>>
    %dma_wait3A_88 = arith.constant 0 : i32
    %dma_wait3A_89 = tpu.memref_slice %arg7[%dma_wait3A_81, %dma_wait3A_88] : memref<2x128xi32, #tpu.memory_space<vmem>> -> memref<1x128xi32, #tpu.memory_space<vmem>>
    %dma_wait3A_90 = tpu.memref_squeeze %dma_wait3A_89 : memref<1x128xi32, #tpu.memory_space<vmem>> -> memref<128xi32, #tpu.memory_space<vmem>>
    %dma_wait3A_91 = arith.constant 0 : i32
    %dma_wait3A_92 = arith.constant 0 : i32
    %dma_wait3A_93 = tpu.memref_slice %arg4[%dma_wait3A_91, %dma_wait3A_92] : memref<100000x128xf32, #tpu.memory_space<hbm>> -> memref<100000x128xf32, #tpu.memory_space<hbm>>
    %dma_wait3A_94 = tpu.memref_slice %arg11[%dma_wait3A_83] : memref<2x!tpu.dma_semaphore, #tpu.memory_space<semaphore_mem>> -> memref<1x!tpu.dma_semaphore, #tpu.memory_space<semaphore_mem>>
    %dma_wait3A_95 = tpu.memref_squeeze %dma_wait3A_94 : memref<1x!tpu.dma_semaphore, #tpu.memory_space<semaphore_mem>> -> memref<!tpu.dma_semaphore, #tpu.memory_space<semaphore_mem>>
    tpu.wait_indirect_dma semaphore(%dma_wait3A_95 : memref<!tpu.dma_semaphore, #tpu.memory_space<semaphore_mem>>) src(%dma_wait3A_93 : memref<100000x128xf32, #tpu.memory_space<hbm>>) dst(%dma_wait3A_87 : memref<128x128xf32, #tpu.memory_space<vmem>>)
    %add3A_96 = arith.constant 0 : i32
    %add3A_97 = arith.addi %mul3A_2, %add3A_96 : i32
    %run_scoped3A_98 = arith.constant 0 : i32
    "tpu.region"() ({
      %run_scoped3A_268 = tpu.sem_alloc : memref<!tpu.dma_semaphore, #tpu.memory_space<semaphore_mem>>
      %dma_start3A_269 = arith.constant 0 : i32
      %dma_start3A_270 = arith.constant 0 : i32
      %dma_start3A_271 = tpu.memref_slice %arg8[%run_scoped3A_98, %dma_start3A_269, %dma_start3A_270] : memref<2x128x256xf32, #tpu.memory_space<vmem>> -> memref<1x128x256xf32, #tpu.memory_space<vmem>>
      %dma_start3A_272 = tpu.memref_squeeze %dma_start3A_271 : memref<1x128x256xf32, #tpu.memory_space<vmem>> -> memref<128x256xf32, #tpu.memory_space<vmem>>
      %dma_start3A_273 = arith.constant 0 : i32
      %dma_start3A_274 = tpu.memref_slice %arg5[%add3A_97, %dma_start3A_273] : memref<16384x256xf32, #tpu.memory_space<hbm>> -> memref<128x256xf32, #tpu.memory_space<hbm>>
      %dma_start3A_275 = arith.constant 0 : i32
      %dma_start3A_276 = tpu.memref_slice %arg5[%add3A_97, %dma_start3A_275] : memref<16384x256xf32, #tpu.memory_space<hbm>> -> memref<128x256xf32, #tpu.memory_space<hbm>>
      %dma_start3A_277 = arith.constant 0 : i32
      %dma_start3A_278 = arith.constant 0 : i32
      %dma_start3A_279 = tpu.memref_slice %arg8[%run_scoped3A_98, %dma_start3A_277, %dma_start3A_278] : memref<2x128x256xf32, #tpu.memory_space<vmem>> -> memref<1x128x256xf32, #tpu.memory_space<vmem>>
      %dma_start3A_280 = tpu.memref_squeeze %dma_start3A_279 : memref<1x128x256xf32, #tpu.memory_space<vmem>> -> memref<128x256xf32, #tpu.memory_space<vmem>>
      tpu.enqueue_dma source(%dma_start3A_280 : memref<128x256xf32, #tpu.memory_space<vmem>>) target(%dma_start3A_276 : memref<128x256xf32, #tpu.memory_space<hbm>>) target_semaphore(%run_scoped3A_268 : memref<!tpu.dma_semaphore, #tpu.memory_space<semaphore_mem>>)
      %dma_wait3A_281 = arith.constant 0 : i32
      %dma_wait3A_282 = arith.constant 0 : i32
      %dma_wait3A_283 = tpu.memref_slice %arg8[%run_scoped3A_98, %dma_wait3A_281, %dma_wait3A_282] : memref<2x128x256xf32, #tpu.memory_space<vmem>> -> memref<1x128x256xf32, #tpu.memory_space<vmem>>
      %dma_wait3A_284 = tpu.memref_squeeze %dma_wait3A_283 : memref<1x128x256xf32, #tpu.memory_space<vmem>> -> memref<128x256xf32, #tpu.memory_space<vmem>>
      %dma_wait3A_285 = arith.constant 0 : i32
      %dma_wait3A_286 = tpu.memref_slice %arg5[%add3A_97, %dma_wait3A_285] : memref<16384x256xf32, #tpu.memory_space<hbm>> -> memref<128x256xf32, #tpu.memory_space<hbm>>
      %dma_wait3A_287 = arith.constant 0 : i32
      %dma_wait3A_288 = tpu.memref_slice %arg5[%add3A_97, %dma_wait3A_287] : memref<16384x256xf32, #tpu.memory_space<hbm>> -> memref<128x256xf32, #tpu.memory_space<hbm>>
      %dma_wait3A_289 = arith.constant 0 : i32
      %dma_wait3A_290 = arith.constant 0 : i32
      %dma_wait3A_291 = tpu.memref_slice %arg8[%run_scoped3A_98, %dma_wait3A_289, %dma_wait3A_290] : memref<2x128x256xf32, #tpu.memory_space<vmem>> -> memref<1x128x256xf32, #tpu.memory_space<vmem>>
      %dma_wait3A_292 = tpu.memref_squeeze %dma_wait3A_291 : memref<1x128x256xf32, #tpu.memory_space<vmem>> -> memref<128x256xf32, #tpu.memory_space<vmem>>
      tpu.wait_dma2 semaphore(%run_scoped3A_268 : memref<!tpu.dma_semaphore, #tpu.memory_space<semaphore_mem>>) src(%dma_wait3A_292 : memref<128x256xf32, #tpu.memory_space<vmem>>) dst(%dma_wait3A_288 : memref<128x256xf32, #tpu.memory_space<hbm>>)
      tpu.yield
    }) : () -> ()
    %run_scoped3A_99 = arith.constant 0 : i32
    "tpu.region"() ({
      %run_scoped3A_268 = tpu.sem_alloc : memref<!tpu.dma_semaphore, #tpu.memory_space<semaphore_mem>>
      %dma_start3A_269 = arith.constant 0 : i32
      %dma_start3A_270 = arith.constant 0 : i32
      %dma_start3A_271 = tpu.memref_slice %arg9[%run_scoped3A_99, %dma_start3A_269, %dma_start3A_270] : memref<2x128x128xf32, #tpu.memory_space<vmem>> -> memref<1x128x128xf32, #tpu.memory_space<vmem>>
      %dma_start3A_272 = tpu.memref_squeeze %dma_start3A_271 : memref<1x128x128xf32, #tpu.memory_space<vmem>> -> memref<128x128xf32, #tpu.memory_space<vmem>>
      %dma_start3A_273 = arith.constant 0 : i32
      %dma_start3A_274 = tpu.memref_slice %arg6[%add3A_97, %dma_start3A_273] : memref<16384x128xf32, #tpu.memory_space<hbm>> -> memref<128x128xf32, #tpu.memory_space<hbm>>
      %dma_start3A_275 = arith.constant 0 : i32
      %dma_start3A_276 = tpu.memref_slice %arg6[%add3A_97, %dma_start3A_275] : memref<16384x128xf32, #tpu.memory_space<hbm>> -> memref<128x128xf32, #tpu.memory_space<hbm>>
      %dma_start3A_277 = arith.constant 0 : i32
      %dma_start3A_278 = arith.constant 0 : i32
      %dma_start3A_279 = tpu.memref_slice %arg9[%run_scoped3A_99, %dma_start3A_277, %dma_start3A_278] : memref<2x128x128xf32, #tpu.memory_space<vmem>> -> memref<1x128x128xf32, #tpu.memory_space<vmem>>
      %dma_start3A_280 = tpu.memref_squeeze %dma_start3A_279 : memref<1x128x128xf32, #tpu.memory_space<vmem>> -> memref<128x128xf32, #tpu.memory_space<vmem>>
      tpu.enqueue_dma source(%dma_start3A_280 : memref<128x128xf32, #tpu.memory_space<vmem>>) target(%dma_start3A_276 : memref<128x128xf32, #tpu.memory_space<hbm>>) target_semaphore(%run_scoped3A_268 : memref<!tpu.dma_semaphore, #tpu.memory_space<semaphore_mem>>)
      %dma_wait3A_281 = arith.constant 0 : i32
      %dma_wait3A_282 = arith.constant 0 : i32
      %dma_wait3A_283 = tpu.memref_slice %arg9[%run_scoped3A_99, %dma_wait3A_281, %dma_wait3A_282] : memref<2x128x128xf32, #tpu.memory_space<vmem>> -> memref<1x128x128xf32, #tpu.memory_space<vmem>>
      %dma_wait3A_284 = tpu.memref_squeeze %dma_wait3A_283 : memref<1x128x128xf32, #tpu.memory_space<vmem>> -> memref<128x128xf32, #tpu.memory_space<vmem>>
      %dma_wait3A_285 = arith.constant 0 : i32
      %dma_wait3A_286 = tpu.memref_slice %arg6[%add3A_97, %dma_wait3A_285] : memref<16384x128xf32, #tpu.memory_space<hbm>> -> memref<128x128xf32, #tpu.memory_space<hbm>>
      %dma_wait3A_287 = arith.constant 0 : i32
      %dma_wait3A_288 = tpu.memref_slice %arg6[%add3A_97, %dma_wait3A_287] : memref<16384x128xf32, #tpu.memory_space<hbm>> -> memref<128x128xf32, #tpu.memory_space<hbm>>
      %dma_wait3A_289 = arith.constant 0 : i32
      %dma_wait3A_290 = arith.constant 0 : i32
      %dma_wait3A_291 = tpu.memref_slice %arg9[%run_scoped3A_99, %dma_wait3A_289, %dma_wait3A_290] : memref<2x128x128xf32, #tpu.memory_space<vmem>> -> memref<1x128x128xf32, #tpu.memory_space<vmem>>
      %dma_wait3A_292 = tpu.memref_squeeze %dma_wait3A_291 : memref<1x128x128xf32, #tpu.memory_space<vmem>> -> memref<128x128xf32, #tpu.memory_space<vmem>>
      tpu.wait_dma2 semaphore(%run_scoped3A_268 : memref<!tpu.dma_semaphore, #tpu.memory_space<semaphore_mem>>) src(%dma_wait3A_292 : memref<128x128xf32, #tpu.memory_space<vmem>>) dst(%dma_wait3A_288 : memref<128x128xf32, #tpu.memory_space<hbm>>)
      tpu.yield
    }) : () -> ()
    %add3A_100 = arith.constant 256 : i32
    %add3A_101 = arith.addi %mul3A_2, %add3A_100 : i32
    %run_scoped3A_102 = arith.constant 0 : i32
    "tpu.region"() ({
      %run_scoped3A_268 = tpu.sem_alloc : memref<!tpu.dma_semaphore, #tpu.memory_space<semaphore_mem>>
      %dma_start3A_269 = arith.constant 0 : i32
      %dma_start3A_270 = tpu.memref_slice %arg7[%run_scoped3A_102, %dma_start3A_269] : memref<2x128xi32, #tpu.memory_space<vmem>> -> memref<1x128xi32, #tpu.memory_space<vmem>>
      %dma_start3A_271 = tpu.memref_squeeze %dma_start3A_270 : memref<1x128xi32, #tpu.memory_space<vmem>> -> memref<128xi32, #tpu.memory_space<vmem>>
      %dma_start3A_272 = tpu.memref_slice %arg2[%add3A_101] : memref<16384xi32, #tpu.memory_space<hbm>> -> memref<128xi32, #tpu.memory_space<hbm>>
      %dma_start3A_273 = arith.constant 0 : i32
      %dma_start3A_274 = tpu.memref_slice %arg7[%run_scoped3A_102, %dma_start3A_273] : memref<2x128xi32, #tpu.memory_space<vmem>> -> memref<1x128xi32, #tpu.memory_space<vmem>>
      %dma_start3A_275 = tpu.memref_squeeze %dma_start3A_274 : memref<1x128xi32, #tpu.memory_space<vmem>> -> memref<128xi32, #tpu.memory_space<vmem>>
      %dma_start3A_276 = tpu.memref_slice %arg2[%add3A_101] : memref<16384xi32, #tpu.memory_space<hbm>> -> memref<128xi32, #tpu.memory_space<hbm>>
      tpu.enqueue_dma source(%dma_start3A_276 : memref<128xi32, #tpu.memory_space<hbm>>) target(%dma_start3A_275 : memref<128xi32, #tpu.memory_space<vmem>>) target_semaphore(%run_scoped3A_268 : memref<!tpu.dma_semaphore, #tpu.memory_space<semaphore_mem>>)
      %dma_wait3A_277 = arith.constant 0 : i32
      %dma_wait3A_278 = tpu.memref_slice %arg7[%run_scoped3A_102, %dma_wait3A_277] : memref<2x128xi32, #tpu.memory_space<vmem>> -> memref<1x128xi32, #tpu.memory_space<vmem>>
      %dma_wait3A_279 = tpu.memref_squeeze %dma_wait3A_278 : memref<1x128xi32, #tpu.memory_space<vmem>> -> memref<128xi32, #tpu.memory_space<vmem>>
      %dma_wait3A_280 = tpu.memref_slice %arg2[%add3A_101] : memref<16384xi32, #tpu.memory_space<hbm>> -> memref<128xi32, #tpu.memory_space<hbm>>
      %dma_wait3A_281 = arith.constant 0 : i32
      %dma_wait3A_282 = tpu.memref_slice %arg7[%run_scoped3A_102, %dma_wait3A_281] : memref<2x128xi32, #tpu.memory_space<vmem>> -> memref<1x128xi32, #tpu.memory_space<vmem>>
      %dma_wait3A_283 = tpu.memref_squeeze %dma_wait3A_282 : memref<1x128xi32, #tpu.memory_space<vmem>> -> memref<128xi32, #tpu.memory_space<vmem>>
      %dma_wait3A_284 = tpu.memref_slice %arg2[%add3A_101] : memref<16384xi32, #tpu.memory_space<hbm>> -> memref<128xi32, #tpu.memory_space<hbm>>
      tpu.wait_dma2 semaphore(%run_scoped3A_268 : memref<!tpu.dma_semaphore, #tpu.memory_space<semaphore_mem>>) src(%dma_wait3A_284 : memref<128xi32, #tpu.memory_space<hbm>>) dst(%dma_wait3A_283 : memref<128xi32, #tpu.memory_space<vmem>>)
      tpu.yield
    }) : () -> ()
    %dma_start3A_103 = arith.constant 0 : i32
    %dma_start3A_104 = arith.constant 0 : i32
    %dma_start3A_105 = arith.constant 0 : i32
    %dma_start3A_106 = arith.constant 0 : i32
    %dma_start3A_107 = arith.constant 0 : i32
    %dma_start3A_108 = tpu.memref_slice %arg8[%dma_start3A_104, %dma_start3A_106, %dma_start3A_107] : memref<2x128x256xf32, #tpu.memory_space<vmem>> -> memref<1x128x256xf32, #tpu.memory_space<vmem>>
    %dma_start3A_109 = tpu.memref_squeeze %dma_start3A_108 : memref<1x128x256xf32, #tpu.memory_space<vmem>> -> memref<128x256xf32, #tpu.memory_space<vmem>>
    %dma_start3A_110 = arith.constant 0 : i32
    %dma_start3A_111 = tpu.memref_slice %arg7[%dma_start3A_103, %dma_start3A_110] : memref<2x128xi32, #tpu.memory_space<vmem>> -> memref<1x128xi32, #tpu.memory_space<vmem>>
    %dma_start3A_112 = tpu.memref_squeeze %dma_start3A_111 : memref<1x128xi32, #tpu.memory_space<vmem>> -> memref<128xi32, #tpu.memory_space<vmem>>
    %dma_start3A_113 = arith.constant 0 : i32
    %dma_start3A_114 = arith.constant 0 : i32
    %dma_start3A_115 = tpu.memref_slice %arg3[%dma_start3A_113, %dma_start3A_114] : memref<100000x300xf32, #tpu.memory_space<hbm>> -> memref<100000x256xf32, #tpu.memory_space<hbm>>
    %dma_start3A_116 = tpu.memref_slice %arg10[%dma_start3A_105] : memref<2x!tpu.dma_semaphore, #tpu.memory_space<semaphore_mem>> -> memref<1x!tpu.dma_semaphore, #tpu.memory_space<semaphore_mem>>
    %dma_start3A_117 = tpu.memref_squeeze %dma_start3A_116 : memref<1x!tpu.dma_semaphore, #tpu.memory_space<semaphore_mem>> -> memref<!tpu.dma_semaphore, #tpu.memory_space<semaphore_mem>>
    tpu.enqueue_indirect_dma source(%dma_start3A_115 : memref<100000x256xf32, #tpu.memory_space<hbm>>) target(%dma_start3A_109 : memref<128x256xf32, #tpu.memory_space<vmem>>) offsets(%dma_start3A_112 : memref<128xi32, #tpu.memory_space<vmem>>) semaphore(%dma_start3A_117 : memref<!tpu.dma_semaphore, #tpu.memory_space<semaphore_mem>>)
    %dma_start3A_118 = arith.constant 0 : i32
    %dma_start3A_119 = arith.constant 0 : i32
    %dma_start3A_120 = arith.constant 0 : i32
    %dma_start3A_121 = arith.constant 0 : i32
    %dma_start3A_122 = arith.constant 0 : i32
    %dma_start3A_123 = tpu.memref_slice %arg9[%dma_start3A_119, %dma_start3A_121, %dma_start3A_122] : memref<2x128x128xf32, #tpu.memory_space<vmem>> -> memref<1x128x128xf32, #tpu.memory_space<vmem>>
    %dma_start3A_124 = tpu.memref_squeeze %dma_start3A_123 : memref<1x128x128xf32, #tpu.memory_space<vmem>> -> memref<128x128xf32, #tpu.memory_space<vmem>>
    %dma_start3A_125 = arith.constant 0 : i32
    %dma_start3A_126 = tpu.memref_slice %arg7[%dma_start3A_118, %dma_start3A_125] : memref<2x128xi32, #tpu.memory_space<vmem>> -> memref<1x128xi32, #tpu.memory_space<vmem>>
    %dma_start3A_127 = tpu.memref_squeeze %dma_start3A_126 : memref<1x128xi32, #tpu.memory_space<vmem>> -> memref<128xi32, #tpu.memory_space<vmem>>
    %dma_start3A_128 = arith.constant 0 : i32
    %dma_start3A_129 = arith.constant 0 : i32
    %dma_start3A_130 = tpu.memref_slice %arg4[%dma_start3A_128, %dma_start3A_129] : memref<100000x128xf32, #tpu.memory_space<hbm>> -> memref<100000x128xf32, #tpu.memory_space<hbm>>
    %dma_start3A_131 = tpu.memref_slice %arg11[%dma_start3A_120] : memref<2x!tpu.dma_semaphore, #tpu.memory_space<semaphore_mem>> -> memref<1x!tpu.dma_semaphore, #tpu.memory_space<semaphore_mem>>
    %dma_start3A_132 = tpu.memref_squeeze %dma_start3A_131 : memref<1x!tpu.dma_semaphore, #tpu.memory_space<semaphore_mem>> -> memref<!tpu.dma_semaphore, #tpu.memory_space<semaphore_mem>>
    tpu.enqueue_indirect_dma source(%dma_start3A_130 : memref<100000x128xf32, #tpu.memory_space<hbm>>) target(%dma_start3A_124 : memref<128x128xf32, #tpu.memory_space<vmem>>) offsets(%dma_start3A_127 : memref<128xi32, #tpu.memory_space<vmem>>) semaphore(%dma_start3A_132 : memref<!tpu.dma_semaphore, #tpu.memory_space<semaphore_mem>>)
    %dma_wait3A_133 = arith.constant 1 : i32
    %dma_wait3A_134 = arith.constant 1 : i32
    %dma_wait3A_135 = arith.constant 1 : i32
    %dma_wait3A_136 = arith.constant 0 : i32
    %dma_wait3A_137 = arith.constant 0 : i32
    %dma_wait3A_138 = tpu.memref_slice %arg8[%dma_wait3A_134, %dma_wait3A_136, %dma_wait3A_137] : memref<2x128x256xf32, #tpu.memory_space<vmem>> -> memref<1x128x256xf32, #tpu.memory_space<vmem>>
    %dma_wait3A_139 = tpu.memref_squeeze %dma_wait3A_138 : memref<1x128x256xf32, #tpu.memory_space<vmem>> -> memref<128x256xf32, #tpu.memory_space<vmem>>
    %dma_wait3A_140 = arith.constant 0 : i32
    %dma_wait3A_141 = tpu.memref_slice %arg7[%dma_wait3A_133, %dma_wait3A_140] : memref<2x128xi32, #tpu.memory_space<vmem>> -> memref<1x128xi32, #tpu.memory_space<vmem>>
    %dma_wait3A_142 = tpu.memref_squeeze %dma_wait3A_141 : memref<1x128xi32, #tpu.memory_space<vmem>> -> memref<128xi32, #tpu.memory_space<vmem>>
    %dma_wait3A_143 = arith.constant 0 : i32
    %dma_wait3A_144 = arith.constant 0 : i32
    %dma_wait3A_145 = tpu.memref_slice %arg3[%dma_wait3A_143, %dma_wait3A_144] : memref<100000x300xf32, #tpu.memory_space<hbm>> -> memref<100000x256xf32, #tpu.memory_space<hbm>>
    %dma_wait3A_146 = tpu.memref_slice %arg10[%dma_wait3A_135] : memref<2x!tpu.dma_semaphore, #tpu.memory_space<semaphore_mem>> -> memref<1x!tpu.dma_semaphore, #tpu.memory_space<semaphore_mem>>
    %dma_wait3A_147 = tpu.memref_squeeze %dma_wait3A_146 : memref<1x!tpu.dma_semaphore, #tpu.memory_space<semaphore_mem>> -> memref<!tpu.dma_semaphore, #tpu.memory_space<semaphore_mem>>
    tpu.wait_indirect_dma semaphore(%dma_wait3A_147 : memref<!tpu.dma_semaphore, #tpu.memory_space<semaphore_mem>>) src(%dma_wait3A_145 : memref<100000x256xf32, #tpu.memory_space<hbm>>) dst(%dma_wait3A_139 : memref<128x256xf32, #tpu.memory_space<vmem>>)
    %dma_wait3A_148 = arith.constant 1 : i32
    %dma_wait3A_149 = arith.constant 1 : i32
    %dma_wait3A_150 = arith.constant 1 : i32
    %dma_wait3A_151 = arith.constant 0 : i32
    %dma_wait3A_152 = arith.constant 0 : i32
    %dma_wait3A_153 = tpu.memref_slice %arg9[%dma_wait3A_149, %dma_wait3A_151, %dma_wait3A_152] : memref<2x128x128xf32, #tpu.memory_space<vmem>> -> memref<1x128x128xf32, #tpu.memory_space<vmem>>
    %dma_wait3A_154 = tpu.memref_squeeze %dma_wait3A_153 : memref<1x128x128xf32, #tpu.memory_space<vmem>> -> memref<128x128xf32, #tpu.memory_space<vmem>>
    %dma_wait3A_155 = arith.constant 0 : i32
    %dma_wait3A_156 = tpu.memref_slice %arg7[%dma_wait3A_148, %dma_wait3A_155] : memref<2x128xi32, #tpu.memory_space<vmem>> -> memref<1x128xi32, #tpu.memory_space<vmem>>
    %dma_wait3A_157 = tpu.memref_squeeze %dma_wait3A_156 : memref<1x128xi32, #tpu.memory_space<vmem>> -> memref<128xi32, #tpu.memory_space<vmem>>
    %dma_wait3A_158 = arith.constant 0 : i32
    %dma_wait3A_159 = arith.constant 0 : i32
    %dma_wait3A_160 = tpu.memref_slice %arg4[%dma_wait3A_158, %dma_wait3A_159] : memref<100000x128xf32, #tpu.memory_space<hbm>> -> memref<100000x128xf32, #tpu.memory_space<hbm>>
    %dma_wait3A_161 = tpu.memref_slice %arg11[%dma_wait3A_150] : memref<2x!tpu.dma_semaphore, #tpu.memory_space<semaphore_mem>> -> memref<1x!tpu.dma_semaphore, #tpu.memory_space<semaphore_mem>>
    %dma_wait3A_162 = tpu.memref_squeeze %dma_wait3A_161 : memref<1x!tpu.dma_semaphore, #tpu.memory_space<semaphore_mem>> -> memref<!tpu.dma_semaphore, #tpu.memory_space<semaphore_mem>>
    tpu.wait_indirect_dma semaphore(%dma_wait3A_162 : memref<!tpu.dma_semaphore, #tpu.memory_space<semaphore_mem>>) src(%dma_wait3A_160 : memref<100000x128xf32, #tpu.memory_space<hbm>>) dst(%dma_wait3A_154 : memref<128x128xf32, #tpu.memory_space<vmem>>)
    %add3A_163 = arith.constant 128 : i32
    %add3A_164 = arith.addi %mul3A_2, %add3A_163 : i32
    %run_scoped3A_165 = arith.constant 1 : i32
    "tpu.region"() ({
      %run_scoped3A_268 = tpu.sem_alloc : memref<!tpu.dma_semaphore, #tpu.memory_space<semaphore_mem>>
      %dma_start3A_269 = arith.constant 0 : i32
      %dma_start3A_270 = arith.constant 0 : i32
      %dma_start3A_271 = tpu.memref_slice %arg8[%run_scoped3A_165, %dma_start3A_269, %dma_start3A_270] : memref<2x128x256xf32, #tpu.memory_space<vmem>> -> memref<1x128x256xf32, #tpu.memory_space<vmem>>
      %dma_start3A_272 = tpu.memref_squeeze %dma_start3A_271 : memref<1x128x256xf32, #tpu.memory_space<vmem>> -> memref<128x256xf32, #tpu.memory_space<vmem>>
      %dma_start3A_273 = arith.constant 0 : i32
      %dma_start3A_274 = tpu.memref_slice %arg5[%add3A_164, %dma_start3A_273] : memref<16384x256xf32, #tpu.memory_space<hbm>> -> memref<128x256xf32, #tpu.memory_space<hbm>>
      %dma_start3A_275 = arith.constant 0 : i32
      %dma_start3A_276 = tpu.memref_slice %arg5[%add3A_164, %dma_start3A_275] : memref<16384x256xf32, #tpu.memory_space<hbm>> -> memref<128x256xf32, #tpu.memory_space<hbm>>
      %dma_start3A_277 = arith.constant 0 : i32
      %dma_start3A_278 = arith.constant 0 : i32
      %dma_start3A_279 = tpu.memref_slice %arg8[%run_scoped3A_165, %dma_start3A_277, %dma_start3A_278] : memref<2x128x256xf32, #tpu.memory_space<vmem>> -> memref<1x128x256xf32, #tpu.memory_space<vmem>>
      %dma_start3A_280 = tpu.memref_squeeze %dma_start3A_279 : memref<1x128x256xf32, #tpu.memory_space<vmem>> -> memref<128x256xf32, #tpu.memory_space<vmem>>
      tpu.enqueue_dma source(%dma_start3A_280 : memref<128x256xf32, #tpu.memory_space<vmem>>) target(%dma_start3A_276 : memref<128x256xf32, #tpu.memory_space<hbm>>) target_semaphore(%run_scoped3A_268 : memref<!tpu.dma_semaphore, #tpu.memory_space<semaphore_mem>>)
      %dma_wait3A_281 = arith.constant 0 : i32
      %dma_wait3A_282 = arith.constant 0 : i32
      %dma_wait3A_283 = tpu.memref_slice %arg8[%run_scoped3A_165, %dma_wait3A_281, %dma_wait3A_282] : memref<2x128x256xf32, #tpu.memory_space<vmem>> -> memref<1x128x256xf32, #tpu.memory_space<vmem>>
      %dma_wait3A_284 = tpu.memref_squeeze %dma_wait3A_283 : memref<1x128x256xf32, #tpu.memory_space<vmem>> -> memref<128x256xf32, #tpu.memory_space<vmem>>
      %dma_wait3A_285 = arith.constant 0 : i32
      %dma_wait3A_286 = tpu.memref_slice %arg5[%add3A_164, %dma_wait3A_285] : memref<16384x256xf32, #tpu.memory_space<hbm>> -> memref<128x256xf32, #tpu.memory_space<hbm>>
      %dma_wait3A_287 = arith.constant 0 : i32
      %dma_wait3A_288 = tpu.memref_slice %arg5[%add3A_164, %dma_wait3A_287] : memref<16384x256xf32, #tpu.memory_space<hbm>> -> memref<128x256xf32, #tpu.memory_space<hbm>>
      %dma_wait3A_289 = arith.constant 0 : i32
      %dma_wait3A_290 = arith.constant 0 : i32
      %dma_wait3A_291 = tpu.memref_slice %arg8[%run_scoped3A_165, %dma_wait3A_289, %dma_wait3A_290] : memref<2x128x256xf32, #tpu.memory_space<vmem>> -> memref<1x128x256xf32, #tpu.memory_space<vmem>>
      %dma_wait3A_292 = tpu.memref_squeeze %dma_wait3A_291 : memref<1x128x256xf32, #tpu.memory_space<vmem>> -> memref<128x256xf32, #tpu.memory_space<vmem>>
      tpu.wait_dma2 semaphore(%run_scoped3A_268 : memref<!tpu.dma_semaphore, #tpu.memory_space<semaphore_mem>>) src(%dma_wait3A_292 : memref<128x256xf32, #tpu.memory_space<vmem>>) dst(%dma_wait3A_288 : memref<128x256xf32, #tpu.memory_space<hbm>>)
      tpu.yield
    }) : () -> ()
    %run_scoped3A_166 = arith.constant 1 : i32
    "tpu.region"() ({
      %run_scoped3A_268 = tpu.sem_alloc : memref<!tpu.dma_semaphore, #tpu.memory_space<semaphore_mem>>
      %dma_start3A_269 = arith.constant 0 : i32
      %dma_start3A_270 = arith.constant 0 : i32
      %dma_start3A_271 = tpu.memref_slice %arg9[%run_scoped3A_166, %dma_start3A_269, %dma_start3A_270] : memref<2x128x128xf32, #tpu.memory_space<vmem>> -> memref<1x128x128xf32, #tpu.memory_space<vmem>>
      %dma_start3A_272 = tpu.memref_squeeze %dma_start3A_271 : memref<1x128x128xf32, #tpu.memory_space<vmem>> -> memref<128x128xf32, #tpu.memory_space<vmem>>
      %dma_start3A_273 = arith.constant 0 : i32
      %dma_start3A_274 = tpu.memref_slice %arg6[%add3A_164, %dma_start3A_273] : memref<16384x128xf32, #tpu.memory_space<hbm>> -> memref<128x128xf32, #tpu.memory_space<hbm>>
      %dma_start3A_275 = arith.constant 0 : i32
      %dma_start3A_276 = tpu.memref_slice %arg6[%add3A_164, %dma_start3A_275] : memref<16384x128xf32, #tpu.memory_space<hbm>> -> memref<128x128xf32, #tpu.memory_space<hbm>>
      %dma_start3A_277 = arith.constant 0 : i32
      %dma_start3A_278 = arith.constant 0 : i32
      %dma_start3A_279 = tpu.memref_slice %arg9[%run_scoped3A_166, %dma_start3A_277, %dma_start3A_278] : memref<2x128x128xf32, #tpu.memory_space<vmem>> -> memref<1x128x128xf32, #tpu.memory_space<vmem>>
      %dma_start3A_280 = tpu.memref_squeeze %dma_start3A_279 : memref<1x128x128xf32, #tpu.memory_space<vmem>> -> memref<128x128xf32, #tpu.memory_space<vmem>>
      tpu.enqueue_dma source(%dma_start3A_280 : memref<128x128xf32, #tpu.memory_space<vmem>>) target(%dma_start3A_276 : memref<128x128xf32, #tpu.memory_space<hbm>>) target_semaphore(%run_scoped3A_268 : memref<!tpu.dma_semaphore, #tpu.memory_space<semaphore_mem>>)
      %dma_wait3A_281 = arith.constant 0 : i32
      %dma_wait3A_282 = arith.constant 0 : i32
      %dma_wait3A_283 = tpu.memref_slice %arg9[%run_scoped3A_166, %dma_wait3A_281, %dma_wait3A_282] : memref<2x128x128xf32, #tpu.memory_space<vmem>> -> memref<1x128x128xf32, #tpu.memory_space<vmem>>
      %dma_wait3A_284 = tpu.memref_squeeze %dma_wait3A_283 : memref<1x128x128xf32, #tpu.memory_space<vmem>> -> memref<128x128xf32, #tpu.memory_space<vmem>>
      %dma_wait3A_285 = arith.constant 0 : i32
      %dma_wait3A_286 = tpu.memref_slice %arg6[%add3A_164, %dma_wait3A_285] : memref<16384x128xf32, #tpu.memory_space<hbm>> -> memref<128x128xf32, #tpu.memory_space<hbm>>
      %dma_wait3A_287 = arith.constant 0 : i32
      %dma_wait3A_288 = tpu.memref_slice %arg6[%add3A_164, %dma_wait3A_287] : memref<16384x128xf32, #tpu.memory_space<hbm>> -> memref<128x128xf32, #tpu.memory_space<hbm>>
      %dma_wait3A_289 = arith.constant 0 : i32
      %dma_wait3A_290 = arith.constant 0 : i32
      %dma_wait3A_291 = tpu.memref_slice %arg9[%run_scoped3A_166, %dma_wait3A_289, %dma_wait3A_290] : memref<2x128x128xf32, #tpu.memory_space<vmem>> -> memref<1x128x128xf32, #tpu.memory_space<vmem>>
      %dma_wait3A_292 = tpu.memref_squeeze %dma_wait3A_291 : memref<1x128x128xf32, #tpu.memory_space<vmem>> -> memref<128x128xf32, #tpu.memory_space<vmem>>
      tpu.wait_dma2 semaphore(%run_scoped3A_268 : memref<!tpu.dma_semaphore, #tpu.memory_space<semaphore_mem>>) src(%dma_wait3A_292 : memref<128x128xf32, #tpu.memory_space<vmem>>) dst(%dma_wait3A_288 : memref<128x128xf32, #tpu.memory_space<hbm>>)
      tpu.yield
    }) : () -> ()
    %add3A_167 = arith.constant 384 : i32
    %add3A_168 = arith.addi %mul3A_2, %add3A_167 : i32
    %run_scoped3A_169 = arith.constant 1 : i32
    "tpu.region"() ({
      %run_scoped3A_268 = tpu.sem_alloc : memref<!tpu.dma_semaphore, #tpu.memory_space<semaphore_mem>>
      %dma_start3A_269 = arith.constant 0 : i32
      %dma_start3A_270 = tpu.memref_slice %arg7[%run_scoped3A_169, %dma_start3A_269] : memref<2x128xi32, #tpu.memory_space<vmem>> -> memref<1x128xi32, #tpu.memory_space<vmem>>
      %dma_start3A_271 = tpu.memref_squeeze %dma_start3A_270 : memref<1x128xi32, #tpu.memory_space<vmem>> -> memref<128xi32, #tpu.memory_space<vmem>>
      %dma_start3A_272 = tpu.memref_slice %arg2[%add3A_168] : memref<16384xi32, #tpu.memory_space<hbm>> -> memref<128xi32, #tpu.memory_space<hbm>>
      %dma_start3A_273 = arith.constant 0 : i32
      %dma_start3A_274 = tpu.memref_slice %arg7[%run_scoped3A_169, %dma_start3A_273] : memref<2x128xi32, #tpu.memory_space<vmem>> -> memref<1x128xi32, #tpu.memory_space<vmem>>
      %dma_start3A_275 = tpu.memref_squeeze %dma_start3A_274 : memref<1x128xi32, #tpu.memory_space<vmem>> -> memref<128xi32, #tpu.memory_space<vmem>>
      %dma_start3A_276 = tpu.memref_slice %arg2[%add3A_168] : memref<16384xi32, #tpu.memory_space<hbm>> -> memref<128xi32, #tpu.memory_space<hbm>>
      tpu.enqueue_dma source(%dma_start3A_276 : memref<128xi32, #tpu.memory_space<hbm>>) target(%dma_start3A_275 : memref<128xi32, #tpu.memory_space<vmem>>) target_semaphore(%run_scoped3A_268 : memref<!tpu.dma_semaphore, #tpu.memory_space<semaphore_mem>>)
      %dma_wait3A_277 = arith.constant 0 : i32
      %dma_wait3A_278 = tpu.memref_slice %arg7[%run_scoped3A_169, %dma_wait3A_277] : memref<2x128xi32, #tpu.memory_space<vmem>> -> memref<1x128xi32, #tpu.memory_space<vmem>>
      %dma_wait3A_279 = tpu.memref_squeeze %dma_wait3A_278 : memref<1x128xi32, #tpu.memory_space<vmem>> -> memref<128xi32, #tpu.memory_space<vmem>>
      %dma_wait3A_280 = tpu.memref_slice %arg2[%add3A_168] : memref<16384xi32, #tpu.memory_space<hbm>> -> memref<128xi32, #tpu.memory_space<hbm>>
      %dma_wait3A_281 = arith.constant 0 : i32
      %dma_wait3A_282 = tpu.memref_slice %arg7[%run_scoped3A_169, %dma_wait3A_281] : memref<2x128xi32, #tpu.memory_space<vmem>> -> memref<1x128xi32, #tpu.memory_space<vmem>>
      %dma_wait3A_283 = tpu.memref_squeeze %dma_wait3A_282 : memref<1x128xi32, #tpu.memory_space<vmem>> -> memref<128xi32, #tpu.memory_space<vmem>>
      %dma_wait3A_284 = tpu.memref_slice %arg2[%add3A_168] : memref<16384xi32, #tpu.memory_space<hbm>> -> memref<128xi32, #tpu.memory_space<hbm>>
      tpu.wait_dma2 semaphore(%run_scoped3A_268 : memref<!tpu.dma_semaphore, #tpu.memory_space<semaphore_mem>>) src(%dma_wait3A_284 : memref<128xi32, #tpu.memory_space<hbm>>) dst(%dma_wait3A_283 : memref<128xi32, #tpu.memory_space<vmem>>)
      tpu.yield
    }) : () -> ()
    %dma_start3A_170 = arith.constant 1 : i32
    %dma_start3A_171 = arith.constant 1 : i32
    %dma_start3A_172 = arith.constant 1 : i32
    %dma_start3A_173 = arith.constant 0 : i32
    %dma_start3A_174 = arith.constant 0 : i32
    %dma_start3A_175 = tpu.memref_slice %arg8[%dma_start3A_171, %dma_start3A_173, %dma_start3A_174] : memref<2x128x256xf32, #tpu.memory_space<vmem>> -> memref<1x128x256xf32, #tpu.memory_space<vmem>>
    %dma_start3A_176 = tpu.memref_squeeze %dma_start3A_175 : memref<1x128x256xf32, #tpu.memory_space<vmem>> -> memref<128x256xf32, #tpu.memory_space<vmem>>
    %dma_start3A_177 = arith.constant 0 : i32
    %dma_start3A_178 = tpu.memref_slice %arg7[%dma_start3A_170, %dma_start3A_177] : memref<2x128xi32, #tpu.memory_space<vmem>> -> memref<1x128xi32, #tpu.memory_space<vmem>>
    %dma_start3A_179 = tpu.memref_squeeze %dma_start3A_178 : memref<1x128xi32, #tpu.memory_space<vmem>> -> memref<128xi32, #tpu.memory_space<vmem>>
    %dma_start3A_180 = arith.constant 0 : i32
    %dma_start3A_181 = arith.constant 0 : i32
    %dma_start3A_182 = tpu.memref_slice %arg3[%dma_start3A_180, %dma_start3A_181] : memref<100000x300xf32, #tpu.memory_space<hbm>> -> memref<100000x256xf32, #tpu.memory_space<hbm>>
    %dma_start3A_183 = tpu.memref_slice %arg10[%dma_start3A_172] : memref<2x!tpu.dma_semaphore, #tpu.memory_space<semaphore_mem>> -> memref<1x!tpu.dma_semaphore, #tpu.memory_space<semaphore_mem>>
    %dma_start3A_184 = tpu.memref_squeeze %dma_start3A_183 : memref<1x!tpu.dma_semaphore, #tpu.memory_space<semaphore_mem>> -> memref<!tpu.dma_semaphore, #tpu.memory_space<semaphore_mem>>
    tpu.enqueue_indirect_dma source(%dma_start3A_182 : memref<100000x256xf32, #tpu.memory_space<hbm>>) target(%dma_start3A_176 : memref<128x256xf32, #tpu.memory_space<vmem>>) offsets(%dma_start3A_179 : memref<128xi32, #tpu.memory_space<vmem>>) semaphore(%dma_start3A_184 : memref<!tpu.dma_semaphore, #tpu.memory_space<semaphore_mem>>)
    %dma_start3A_185 = arith.constant 1 : i32
    %dma_start3A_186 = arith.constant 1 : i32
    %dma_start3A_187 = arith.constant 1 : i32
    %dma_start3A_188 = arith.constant 0 : i32
    %dma_start3A_189 = arith.constant 0 : i32
    %dma_start3A_190 = tpu.memref_slice %arg9[%dma_start3A_186, %dma_start3A_188, %dma_start3A_189] : memref<2x128x128xf32, #tpu.memory_space<vmem>> -> memref<1x128x128xf32, #tpu.memory_space<vmem>>
    %dma_start3A_191 = tpu.memref_squeeze %dma_start3A_190 : memref<1x128x128xf32, #tpu.memory_space<vmem>> -> memref<128x128xf32, #tpu.memory_space<vmem>>
    %dma_start3A_192 = arith.constant 0 : i32
    %dma_start3A_193 = tpu.memref_slice %arg7[%dma_start3A_185, %dma_start3A_192] : memref<2x128xi32, #tpu.memory_space<vmem>> -> memref<1x128xi32, #tpu.memory_space<vmem>>
    %dma_start3A_194 = tpu.memref_squeeze %dma_start3A_193 : memref<1x128xi32, #tpu.memory_space<vmem>> -> memref<128xi32, #tpu.memory_space<vmem>>
    %dma_start3A_195 = arith.constant 0 : i32
    %dma_start3A_196 = arith.constant 0 : i32
    %dma_start3A_197 = tpu.memref_slice %arg4[%dma_start3A_195, %dma_start3A_196] : memref<100000x128xf32, #tpu.memory_space<hbm>> -> memref<100000x128xf32, #tpu.memory_space<hbm>>
    %dma_start3A_198 = tpu.memref_slice %arg11[%dma_start3A_187] : memref<2x!tpu.dma_semaphore, #tpu.memory_space<semaphore_mem>> -> memref<1x!tpu.dma_semaphore, #tpu.memory_space<semaphore_mem>>
    %dma_start3A_199 = tpu.memref_squeeze %dma_start3A_198 : memref<1x!tpu.dma_semaphore, #tpu.memory_space<semaphore_mem>> -> memref<!tpu.dma_semaphore, #tpu.memory_space<semaphore_mem>>
    tpu.enqueue_indirect_dma source(%dma_start3A_197 : memref<100000x128xf32, #tpu.memory_space<hbm>>) target(%dma_start3A_191 : memref<128x128xf32, #tpu.memory_space<vmem>>) offsets(%dma_start3A_194 : memref<128xi32, #tpu.memory_space<vmem>>) semaphore(%dma_start3A_199 : memref<!tpu.dma_semaphore, #tpu.memory_space<semaphore_mem>>)
    %dma_wait3A_200 = arith.constant 0 : i32
    %dma_wait3A_201 = arith.constant 0 : i32
    %dma_wait3A_202 = arith.constant 0 : i32
    %dma_wait3A_203 = arith.constant 0 : i32
    %dma_wait3A_204 = arith.constant 0 : i32
    %dma_wait3A_205 = tpu.memref_slice %arg8[%dma_wait3A_201, %dma_wait3A_203, %dma_wait3A_204] : memref<2x128x256xf32, #tpu.memory_space<vmem>> -> memref<1x128x256xf32, #tpu.memory_space<vmem>>
    %dma_wait3A_206 = tpu.memref_squeeze %dma_wait3A_205 : memref<1x128x256xf32, #tpu.memory_space<vmem>> -> memref<128x256xf32, #tpu.memory_space<vmem>>
    %dma_wait3A_207 = arith.constant 0 : i32
    %dma_wait3A_208 = tpu.memref_slice %arg7[%dma_wait3A_200, %dma_wait3A_207] : memref<2x128xi32, #tpu.memory_space<vmem>> -> memref<1x128xi32, #tpu.memory_space<vmem>>
    %dma_wait3A_209 = tpu.memref_squeeze %dma_wait3A_208 : memref<1x128xi32, #tpu.memory_space<vmem>> -> memref<128xi32, #tpu.memory_space<vmem>>
    %dma_wait3A_210 = arith.constant 0 : i32
    %dma_wait3A_211 = arith.constant 0 : i32
    %dma_wait3A_212 = tpu.memref_slice %arg3[%dma_wait3A_210, %dma_wait3A_211] : memref<100000x300xf32, #tpu.memory_space<hbm>> -> memref<100000x256xf32, #tpu.memory_space<hbm>>
    %dma_wait3A_213 = tpu.memref_slice %arg10[%dma_wait3A_202] : memref<2x!tpu.dma_semaphore, #tpu.memory_space<semaphore_mem>> -> memref<1x!tpu.dma_semaphore, #tpu.memory_space<semaphore_mem>>
    %dma_wait3A_214 = tpu.memref_squeeze %dma_wait3A_213 : memref<1x!tpu.dma_semaphore, #tpu.memory_space<semaphore_mem>> -> memref<!tpu.dma_semaphore, #tpu.memory_space<semaphore_mem>>
    tpu.wait_indirect_dma semaphore(%dma_wait3A_214 : memref<!tpu.dma_semaphore, #tpu.memory_space<semaphore_mem>>) src(%dma_wait3A_212 : memref<100000x256xf32, #tpu.memory_space<hbm>>) dst(%dma_wait3A_206 : memref<128x256xf32, #tpu.memory_space<vmem>>)
    %dma_wait3A_215 = arith.constant 0 : i32
    %dma_wait3A_216 = arith.constant 0 : i32
    %dma_wait3A_217 = arith.constant 0 : i32
    %dma_wait3A_218 = arith.constant 0 : i32
    %dma_wait3A_219 = arith.constant 0 : i32
    %dma_wait3A_220 = tpu.memref_slice %arg9[%dma_wait3A_216, %dma_wait3A_218, %dma_wait3A_219] : memref<2x128x128xf32, #tpu.memory_space<vmem>> -> memref<1x128x128xf32, #tpu.memory_space<vmem>>
    %dma_wait3A_221 = tpu.memref_squeeze %dma_wait3A_220 : memref<1x128x128xf32, #tpu.memory_space<vmem>> -> memref<128x128xf32, #tpu.memory_space<vmem>>
    %dma_wait3A_222 = arith.constant 0 : i32
    %dma_wait3A_223 = tpu.memref_slice %arg7[%dma_wait3A_215, %dma_wait3A_222] : memref<2x128xi32, #tpu.memory_space<vmem>> -> memref<1x128xi32, #tpu.memory_space<vmem>>
    %dma_wait3A_224 = tpu.memref_squeeze %dma_wait3A_223 : memref<1x128xi32, #tpu.memory_space<vmem>> -> memref<128xi32, #tpu.memory_space<vmem>>
    %dma_wait3A_225 = arith.constant 0 : i32
    %dma_wait3A_226 = arith.constant 0 : i32
    %dma_wait3A_227 = tpu.memref_slice %arg4[%dma_wait3A_225, %dma_wait3A_226] : memref<100000x128xf32, #tpu.memory_space<hbm>> -> memref<100000x128xf32, #tpu.memory_space<hbm>>
    %dma_wait3A_228 = tpu.memref_slice %arg11[%dma_wait3A_217] : memref<2x!tpu.dma_semaphore, #tpu.memory_space<semaphore_mem>> -> memref<1x!tpu.dma_semaphore, #tpu.memory_space<semaphore_mem>>
    %dma_wait3A_229 = tpu.memref_squeeze %dma_wait3A_228 : memref<1x!tpu.dma_semaphore, #tpu.memory_space<semaphore_mem>> -> memref<!tpu.dma_semaphore, #tpu.memory_space<semaphore_mem>>
    tpu.wait_indirect_dma semaphore(%dma_wait3A_229 : memref<!tpu.dma_semaphore, #tpu.memory_space<semaphore_mem>>) src(%dma_wait3A_227 : memref<100000x128xf32, #tpu.memory_space<hbm>>) dst(%dma_wait3A_221 : memref<128x128xf32, #tpu.memory_space<vmem>>)
    %add3A_230 = arith.constant 256 : i32
    %add3A_231 = arith.addi %mul3A_2, %add3A_230 : i32
    %run_scoped3A_232 = arith.constant 0 : i32
    "tpu.region"() ({
      %run_scoped3A_268 = tpu.sem_alloc : memref<!tpu.dma_semaphore, #tpu.memory_space<semaphore_mem>>
      %dma_start3A_269 = arith.constant 0 : i32
      %dma_start3A_270 = arith.constant 0 : i32
      %dma_start3A_271 = tpu.memref_slice %arg8[%run_scoped3A_232, %dma_start3A_269, %dma_start3A_270] : memref<2x128x256xf32, #tpu.memory_space<vmem>> -> memref<1x128x256xf32, #tpu.memory_space<vmem>>
      %dma_start3A_272 = tpu.memref_squeeze %dma_start3A_271 : memref<1x128x256xf32, #tpu.memory_space<vmem>> -> memref<128x256xf32, #tpu.memory_space<vmem>>
      %dma_start3A_273 = arith.constant 0 : i32
      %dma_start3A_274 = tpu.memref_slice %arg5[%add3A_231, %dma_start3A_273] : memref<16384x256xf32, #tpu.memory_space<hbm>> -> memref<128x256xf32, #tpu.memory_space<hbm>>
      %dma_start3A_275 = arith.constant 0 : i32
      %dma_start3A_276 = tpu.memref_slice %arg5[%add3A_231, %dma_start3A_275] : memref<16384x256xf32, #tpu.memory_space<hbm>> -> memref<128x256xf32, #tpu.memory_space<hbm>>
      %dma_start3A_277 = arith.constant 0 : i32
      %dma_start3A_278 = arith.constant 0 : i32
      %dma_start3A_279 = tpu.memref_slice %arg8[%run_scoped3A_232, %dma_start3A_277, %dma_start3A_278] : memref<2x128x256xf32, #tpu.memory_space<vmem>> -> memref<1x128x256xf32, #tpu.memory_space<vmem>>
      %dma_start3A_280 = tpu.memref_squeeze %dma_start3A_279 : memref<1x128x256xf32, #tpu.memory_space<vmem>> -> memref<128x256xf32, #tpu.memory_space<vmem>>
      tpu.enqueue_dma source(%dma_start3A_280 : memref<128x256xf32, #tpu.memory_space<vmem>>) target(%dma_start3A_276 : memref<128x256xf32, #tpu.memory_space<hbm>>) target_semaphore(%run_scoped3A_268 : memref<!tpu.dma_semaphore, #tpu.memory_space<semaphore_mem>>)
      %dma_wait3A_281 = arith.constant 0 : i32
      %dma_wait3A_282 = arith.constant 0 : i32
      %dma_wait3A_283 = tpu.memref_slice %arg8[%run_scoped3A_232, %dma_wait3A_281, %dma_wait3A_282] : memref<2x128x256xf32, #tpu.memory_space<vmem>> -> memref<1x128x256xf32, #tpu.memory_space<vmem>>
      %dma_wait3A_284 = tpu.memref_squeeze %dma_wait3A_283 : memref<1x128x256xf32, #tpu.memory_space<vmem>> -> memref<128x256xf32, #tpu.memory_space<vmem>>
      %dma_wait3A_285 = arith.constant 0 : i32
      %dma_wait3A_286 = tpu.memref_slice %arg5[%add3A_231, %dma_wait3A_285] : memref<16384x256xf32, #tpu.memory_space<hbm>> -> memref<128x256xf32, #tpu.memory_space<hbm>>
      %dma_wait3A_287 = arith.constant 0 : i32
      %dma_wait3A_288 = tpu.memref_slice %arg5[%add3A_231, %dma_wait3A_287] : memref<16384x256xf32, #tpu.memory_space<hbm>> -> memref<128x256xf32, #tpu.memory_space<hbm>>
      %dma_wait3A_289 = arith.constant 0 : i32
      %dma_wait3A_290 = arith.constant 0 : i32
      %dma_wait3A_291 = tpu.memref_slice %arg8[%run_scoped3A_232, %dma_wait3A_289, %dma_wait3A_290] : memref<2x128x256xf32, #tpu.memory_space<vmem>> -> memref<1x128x256xf32, #tpu.memory_space<vmem>>
      %dma_wait3A_292 = tpu.memref_squeeze %dma_wait3A_291 : memref<1x128x256xf32, #tpu.memory_space<vmem>> -> memref<128x256xf32, #tpu.memory_space<vmem>>
      tpu.wait_dma2 semaphore(%run_scoped3A_268 : memref<!tpu.dma_semaphore, #tpu.memory_space<semaphore_mem>>) src(%dma_wait3A_292 : memref<128x256xf32, #tpu.memory_space<vmem>>) dst(%dma_wait3A_288 : memref<128x256xf32, #tpu.memory_space<hbm>>)
      tpu.yield
    }) : () -> ()
    %run_scoped3A_233 = arith.constant 0 : i32
    "tpu.region"() ({
      %run_scoped3A_268 = tpu.sem_alloc : memref<!tpu.dma_semaphore, #tpu.memory_space<semaphore_mem>>
      %dma_start3A_269 = arith.constant 0 : i32
      %dma_start3A_270 = arith.constant 0 : i32
      %dma_start3A_271 = tpu.memref_slice %arg9[%run_scoped3A_233, %dma_start3A_269, %dma_start3A_270] : memref<2x128x128xf32, #tpu.memory_space<vmem>> -> memref<1x128x128xf32, #tpu.memory_space<vmem>>
      %dma_start3A_272 = tpu.memref_squeeze %dma_start3A_271 : memref<1x128x128xf32, #tpu.memory_space<vmem>> -> memref<128x128xf32, #tpu.memory_space<vmem>>
      %dma_start3A_273 = arith.constant 0 : i32
      %dma_start3A_274 = tpu.memref_slice %arg6[%add3A_231, %dma_start3A_273] : memref<16384x128xf32, #tpu.memory_space<hbm>> -> memref<128x128xf32, #tpu.memory_space<hbm>>
      %dma_start3A_275 = arith.constant 0 : i32
      %dma_start3A_276 = tpu.memref_slice %arg6[%add3A_231, %dma_start3A_275] : memref<16384x128xf32, #tpu.memory_space<hbm>> -> memref<128x128xf32, #tpu.memory_space<hbm>>
      %dma_start3A_277 = arith.constant 0 : i32
      %dma_start3A_278 = arith.constant 0 : i32
      %dma_start3A_279 = tpu.memref_slice %arg9[%run_scoped3A_233, %dma_start3A_277, %dma_start3A_278] : memref<2x128x128xf32, #tpu.memory_space<vmem>> -> memref<1x128x128xf32, #tpu.memory_space<vmem>>
      %dma_start3A_280 = tpu.memref_squeeze %dma_start3A_279 : memref<1x128x128xf32, #tpu.memory_space<vmem>> -> memref<128x128xf32, #tpu.memory_space<vmem>>
      tpu.enqueue_dma source(%dma_start3A_280 : memref<128x128xf32, #tpu.memory_space<vmem>>) target(%dma_start3A_276 : memref<128x128xf32, #tpu.memory_space<hbm>>) target_semaphore(%run_scoped3A_268 : memref<!tpu.dma_semaphore, #tpu.memory_space<semaphore_mem>>)
      %dma_wait3A_281 = arith.constant 0 : i32
      %dma_wait3A_282 = arith.constant 0 : i32
      %dma_wait3A_283 = tpu.memref_slice %arg9[%run_scoped3A_233, %dma_wait3A_281, %dma_wait3A_282] : memref<2x128x128xf32, #tpu.memory_space<vmem>> -> memref<1x128x128xf32, #tpu.memory_space<vmem>>
      %dma_wait3A_284 = tpu.memref_squeeze %dma_wait3A_283 : memref<1x128x128xf32, #tpu.memory_space<vmem>> -> memref<128x128xf32, #tpu.memory_space<vmem>>
      %dma_wait3A_285 = arith.constant 0 : i32
      %dma_wait3A_286 = tpu.memref_slice %arg6[%add3A_231, %dma_wait3A_285] : memref<16384x128xf32, #tpu.memory_space<hbm>> -> memref<128x128xf32, #tpu.memory_space<hbm>>
      %dma_wait3A_287 = arith.constant 0 : i32
      %dma_wait3A_288 = tpu.memref_slice %arg6[%add3A_231, %dma_wait3A_287] : memref<16384x128xf32, #tpu.memory_space<hbm>> -> memref<128x128xf32, #tpu.memory_space<hbm>>
      %dma_wait3A_289 = arith.constant 0 : i32
      %dma_wait3A_290 = arith.constant 0 : i32
      %dma_wait3A_291 = tpu.memref_slice %arg9[%run_scoped3A_233, %dma_wait3A_289, %dma_wait3A_290] : memref<2x128x128xf32, #tpu.memory_space<vmem>> -> memref<1x128x128xf32, #tpu.memory_space<vmem>>
      %dma_wait3A_292 = tpu.memref_squeeze %dma_wait3A_291 : memref<1x128x128xf32, #tpu.memory_space<vmem>> -> memref<128x128xf32, #tpu.memory_space<vmem>>
      tpu.wait_dma2 semaphore(%run_scoped3A_268 : memref<!tpu.dma_semaphore, #tpu.memory_space<semaphore_mem>>) src(%dma_wait3A_292 : memref<128x128xf32, #tpu.memory_space<vmem>>) dst(%dma_wait3A_288 : memref<128x128xf32, #tpu.memory_space<hbm>>)
      tpu.yield
    }) : () -> ()
    %dma_wait3A_234 = arith.constant 1 : i32
    %dma_wait3A_235 = arith.constant 1 : i32
    %dma_wait3A_236 = arith.constant 1 : i32
    %dma_wait3A_237 = arith.constant 0 : i32
    %dma_wait3A_238 = arith.constant 0 : i32
    %dma_wait3A_239 = tpu.memref_slice %arg8[%dma_wait3A_235, %dma_wait3A_237, %dma_wait3A_238] : memref<2x128x256xf32, #tpu.memory_space<vmem>> -> memref<1x128x256xf32, #tpu.memory_space<vmem>>
    %dma_wait3A_240 = tpu.memref_squeeze %dma_wait3A_239 : memref<1x128x256xf32, #tpu.memory_space<vmem>> -> memref<128x256xf32, #tpu.memory_space<vmem>>
    %dma_wait3A_241 = arith.constant 0 : i32
    %dma_wait3A_242 = tpu.memref_slice %arg7[%dma_wait3A_234, %dma_wait3A_241] : memref<2x128xi32, #tpu.memory_space<vmem>> -> memref<1x128xi32, #tpu.memory_space<vmem>>
    %dma_wait3A_243 = tpu.memref_squeeze %dma_wait3A_242 : memref<1x128xi32, #tpu.memory_space<vmem>> -> memref<128xi32, #tpu.memory_space<vmem>>
    %dma_wait3A_244 = arith.constant 0 : i32
    %dma_wait3A_245 = arith.constant 0 : i32
    %dma_wait3A_246 = tpu.memref_slice %arg3[%dma_wait3A_244, %dma_wait3A_245] : memref<100000x300xf32, #tpu.memory_space<hbm>> -> memref<100000x256xf32, #tpu.memory_space<hbm>>
    %dma_wait3A_247 = tpu.memref_slice %arg10[%dma_wait3A_236] : memref<2x!tpu.dma_semaphore, #tpu.memory_space<semaphore_mem>> -> memref<1x!tpu.dma_semaphore, #tpu.memory_space<semaphore_mem>>
    %dma_wait3A_248 = tpu.memref_squeeze %dma_wait3A_247 : memref<1x!tpu.dma_semaphore, #tpu.memory_space<semaphore_mem>> -> memref<!tpu.dma_semaphore, #tpu.memory_space<semaphore_mem>>
    tpu.wait_indirect_dma semaphore(%dma_wait3A_248 : memref<!tpu.dma_semaphore, #tpu.memory_space<semaphore_mem>>) src(%dma_wait3A_246 : memref<100000x256xf32, #tpu.memory_space<hbm>>) dst(%dma_wait3A_240 : memref<128x256xf32, #tpu.memory_space<vmem>>)
    %dma_wait3A_249 = arith.constant 1 : i32
    %dma_wait3A_250 = arith.constant 1 : i32
    %dma_wait3A_251 = arith.constant 1 : i32
    %dma_wait3A_252 = arith.constant 0 : i32
    %dma_wait3A_253 = arith.constant 0 : i32
    %dma_wait3A_254 = tpu.memref_slice %arg9[%dma_wait3A_250, %dma_wait3A_252, %dma_wait3A_253] : memref<2x128x128xf32, #tpu.memory_space<vmem>> -> memref<1x128x128xf32, #tpu.memory_space<vmem>>
    %dma_wait3A_255 = tpu.memref_squeeze %dma_wait3A_254 : memref<1x128x128xf32, #tpu.memory_space<vmem>> -> memref<128x128xf32, #tpu.memory_space<vmem>>
    %dma_wait3A_256 = arith.constant 0 : i32
    %dma_wait3A_257 = tpu.memref_slice %arg7[%dma_wait3A_249, %dma_wait3A_256] : memref<2x128xi32, #tpu.memory_space<vmem>> -> memref<1x128xi32, #tpu.memory_space<vmem>>
    %dma_wait3A_258 = tpu.memref_squeeze %dma_wait3A_257 : memref<1x128xi32, #tpu.memory_space<vmem>> -> memref<128xi32, #tpu.memory_space<vmem>>
    %dma_wait3A_259 = arith.constant 0 : i32
    %dma_wait3A_260 = arith.constant 0 : i32
    %dma_wait3A_261 = tpu.memref_slice %arg4[%dma_wait3A_259, %dma_wait3A_260] : memref<100000x128xf32, #tpu.memory_space<hbm>> -> memref<100000x128xf32, #tpu.memory_space<hbm>>
    %dma_wait3A_262 = tpu.memref_slice %arg11[%dma_wait3A_251] : memref<2x!tpu.dma_semaphore, #tpu.memory_space<semaphore_mem>> -> memref<1x!tpu.dma_semaphore, #tpu.memory_space<semaphore_mem>>
    %dma_wait3A_263 = tpu.memref_squeeze %dma_wait3A_262 : memref<1x!tpu.dma_semaphore, #tpu.memory_space<semaphore_mem>> -> memref<!tpu.dma_semaphore, #tpu.memory_space<semaphore_mem>>
    tpu.wait_indirect_dma semaphore(%dma_wait3A_263 : memref<!tpu.dma_semaphore, #tpu.memory_space<semaphore_mem>>) src(%dma_wait3A_261 : memref<100000x128xf32, #tpu.memory_space<hbm>>) dst(%dma_wait3A_255 : memref<128x128xf32, #tpu.memory_space<vmem>>)
    %add3A_264 = arith.constant 384 : i32
    %add3A_265 = arith.addi %mul3A_2, %add3A_264 : i32
    %run_scoped3A_266 = arith.constant 1 : i32
    "tpu.region"() ({
      %run_scoped3A_268 = tpu.sem_alloc : memref<!tpu.dma_semaphore, #tpu.memory_space<semaphore_mem>>
      %dma_start3A_269 = arith.constant 0 : i32
      %dma_start3A_270 = arith.constant 0 : i32
      %dma_start3A_271 = tpu.memref_slice %arg8[%run_scoped3A_266, %dma_start3A_269, %dma_start3A_270] : memref<2x128x256xf32, #tpu.memory_space<vmem>> -> memref<1x128x256xf32, #tpu.memory_space<vmem>>
      %dma_start3A_272 = tpu.memref_squeeze %dma_start3A_271 : memref<1x128x256xf32, #tpu.memory_space<vmem>> -> memref<128x256xf32, #tpu.memory_space<vmem>>
      %dma_start3A_273 = arith.constant 0 : i32
      %dma_start3A_274 = tpu.memref_slice %arg5[%add3A_265, %dma_start3A_273] : memref<16384x256xf32, #tpu.memory_space<hbm>> -> memref<128x256xf32, #tpu.memory_space<hbm>>
      %dma_start3A_275 = arith.constant 0 : i32
      %dma_start3A_276 = tpu.memref_slice %arg5[%add3A_265, %dma_start3A_275] : memref<16384x256xf32, #tpu.memory_space<hbm>> -> memref<128x256xf32, #tpu.memory_space<hbm>>
      %dma_start3A_277 = arith.constant 0 : i32
      %dma_start3A_278 = arith.constant 0 : i32
      %dma_start3A_279 = tpu.memref_slice %arg8[%run_scoped3A_266, %dma_start3A_277, %dma_start3A_278] : memref<2x128x256xf32, #tpu.memory_space<vmem>> -> memref<1x128x256xf32, #tpu.memory_space<vmem>>
      %dma_start3A_280 = tpu.memref_squeeze %dma_start3A_279 : memref<1x128x256xf32, #tpu.memory_space<vmem>> -> memref<128x256xf32, #tpu.memory_space<vmem>>
      tpu.enqueue_dma source(%dma_start3A_280 : memref<128x256xf32, #tpu.memory_space<vmem>>) target(%dma_start3A_276 : memref<128x256xf32, #tpu.memory_space<hbm>>) target_semaphore(%run_scoped3A_268 : memref<!tpu.dma_semaphore, #tpu.memory_space<semaphore_mem>>)
      %dma_wait3A_281 = arith.constant 0 : i32
      %dma_wait3A_282 = arith.constant 0 : i32
      %dma_wait3A_283 = tpu.memref_slice %arg8[%run_scoped3A_266, %dma_wait3A_281, %dma_wait3A_282] : memref<2x128x256xf32, #tpu.memory_space<vmem>> -> memref<1x128x256xf32, #tpu.memory_space<vmem>>
      %dma_wait3A_284 = tpu.memref_squeeze %dma_wait3A_283 : memref<1x128x256xf32, #tpu.memory_space<vmem>> -> memref<128x256xf32, #tpu.memory_space<vmem>>
      %dma_wait3A_285 = arith.constant 0 : i32
      %dma_wait3A_286 = tpu.memref_slice %arg5[%add3A_265, %dma_wait3A_285] : memref<16384x256xf32, #tpu.memory_space<hbm>> -> memref<128x256xf32, #tpu.memory_space<hbm>>
      %dma_wait3A_287 = arith.constant 0 : i32
      %dma_wait3A_288 = tpu.memref_slice %arg5[%add3A_265, %dma_wait3A_287] : memref<16384x256xf32, #tpu.memory_space<hbm>> -> memref<128x256xf32, #tpu.memory_space<hbm>>
      %dma_wait3A_289 = arith.constant 0 : i32
      %dma_wait3A_290 = arith.constant 0 : i32
      %dma_wait3A_291 = tpu.memref_slice %arg8[%run_scoped3A_266, %dma_wait3A_289, %dma_wait3A_290] : memref<2x128x256xf32, #tpu.memory_space<vmem>> -> memref<1x128x256xf32, #tpu.memory_space<vmem>>
      %dma_wait3A_292 = tpu.memref_squeeze %dma_wait3A_291 : memref<1x128x256xf32, #tpu.memory_space<vmem>> -> memref<128x256xf32, #tpu.memory_space<vmem>>
      tpu.wait_dma2 semaphore(%run_scoped3A_268 : memref<!tpu.dma_semaphore, #tpu.memory_space<semaphore_mem>>) src(%dma_wait3A_292 : memref<128x256xf32, #tpu.memory_space<vmem>>) dst(%dma_wait3A_288 : memref<128x256xf32, #tpu.memory_space<hbm>>)
      tpu.yield
    }) : () -> ()
    %run_scoped3A_267 = arith.constant 1 : i32
    "tpu.region"() ({
      %run_scoped3A_268 = tpu.sem_alloc : memref<!tpu.dma_semaphore, #tpu.memory_space<semaphore_mem>>
      %dma_start3A_269 = arith.constant 0 : i32
      %dma_start3A_270 = arith.constant 0 : i32
      %dma_start3A_271 = tpu.memref_slice %arg9[%run_scoped3A_267, %dma_start3A_269, %dma_start3A_270] : memref<2x128x128xf32, #tpu.memory_space<vmem>> -> memref<1x128x128xf32, #tpu.memory_space<vmem>>
      %dma_start3A_272 = tpu.memref_squeeze %dma_start3A_271 : memref<1x128x128xf32, #tpu.memory_space<vmem>> -> memref<128x128xf32, #tpu.memory_space<vmem>>
      %dma_start3A_273 = arith.constant 0 : i32
      %dma_start3A_274 = tpu.memref_slice %arg6[%add3A_265, %dma_start3A_273] : memref<16384x128xf32, #tpu.memory_space<hbm>> -> memref<128x128xf32, #tpu.memory_space<hbm>>
      %dma_start3A_275 = arith.constant 0 : i32
      %dma_start3A_276 = tpu.memref_slice %arg6[%add3A_265, %dma_start3A_275] : memref<16384x128xf32, #tpu.memory_space<hbm>> -> memref<128x128xf32, #tpu.memory_space<hbm>>
      %dma_start3A_277 = arith.constant 0 : i32
      %dma_start3A_278 = arith.constant 0 : i32
      %dma_start3A_279 = tpu.memref_slice %arg9[%run_scoped3A_267, %dma_start3A_277, %dma_start3A_278] : memref<2x128x128xf32, #tpu.memory_space<vmem>> -> memref<1x128x128xf32, #tpu.memory_space<vmem>>
      %dma_start3A_280 = tpu.memref_squeeze %dma_start3A_279 : memref<1x128x128xf32, #tpu.memory_space<vmem>> -> memref<128x128xf32, #tpu.memory_space<vmem>>
      tpu.enqueue_dma source(%dma_start3A_280 : memref<128x128xf32, #tpu.memory_space<vmem>>) target(%dma_start3A_276 : memref<128x128xf32, #tpu.memory_space<hbm>>) target_semaphore(%run_scoped3A_268 : memref<!tpu.dma_semaphore, #tpu.memory_space<semaphore_mem>>)
      %dma_wait3A_281 = arith.constant 0 : i32
      %dma_wait3A_282 = arith.constant 0 : i32
      %dma_wait3A_283 = tpu.memref_slice %arg9[%run_scoped3A_267, %dma_wait3A_281, %dma_wait3A_282] : memref<2x128x128xf32, #tpu.memory_space<vmem>> -> memref<1x128x128xf32, #tpu.memory_space<vmem>>
      %dma_wait3A_284 = tpu.memref_squeeze %dma_wait3A_283 : memref<1x128x128xf32, #tpu.memory_space<vmem>> -> memref<128x128xf32, #tpu.memory_space<vmem>>
      %dma_wait3A_285 = arith.constant 0 : i32
      %dma_wait3A_286 = tpu.memref_slice %arg6[%add3A_265, %dma_wait3A_285] : memref<16384x128xf32, #tpu.memory_space<hbm>> -> memref<128x128xf32, #tpu.memory_space<hbm>>
      %dma_wait3A_287 = arith.constant 0 : i32
      %dma_wait3A_288 = tpu.memref_slice %arg6[%add3A_265, %dma_wait3A_287] : memref<16384x128xf32, #tpu.memory_space<hbm>> -> memref<128x128xf32, #tpu.memory_space<hbm>>
      %dma_wait3A_289 = arith.constant 0 : i32
      %dma_wait3A_290 = arith.constant 0 : i32
      %dma_wait3A_291 = tpu.memref_slice %arg9[%run_scoped3A_267, %dma_wait3A_289, %dma_wait3A_290] : memref<2x128x128xf32, #tpu.memory_space<vmem>> -> memref<1x128x128xf32, #tpu.memory_space<vmem>>
      %dma_wait3A_292 = tpu.memref_squeeze %dma_wait3A_291 : memref<1x128x128xf32, #tpu.memory_space<vmem>> -> memref<128x128xf32, #tpu.memory_space<vmem>>
      tpu.wait_dma2 semaphore(%run_scoped3A_268 : memref<!tpu.dma_semaphore, #tpu.memory_space<semaphore_mem>>) src(%dma_wait3A_292 : memref<128x128xf32, #tpu.memory_space<vmem>>) dst(%dma_wait3A_288 : memref<128x128xf32, #tpu.memory_space<hbm>>)
      tpu.yield
    }) : () -> ()
    return
  }
}

module attributes {stable_mosaic.version = 14 : i64} {
  func.func @_mm_body(%arg0: i32, %arg1: memref<1024x256xf32, #tpu.memory_space<vmem>>, %arg2: memref<1024x128xf32, #tpu.memory_space<vmem>>, %arg3: memref<2048x300xf32, #tpu.memory_space<vmem>>, %arg4: memref<1x2048xf32, #tpu.memory_space<vmem>>, %arg5: memref<1024x2048xf32, #tpu.memory_space<vmem>>) attributes {dimension_semantics = [#tpu.dimension_semantics<arbitrary>], iteration_bounds = array<i64: 16>, scalar_prefetch = 0 : i64, scratch_operands = 0 : i64, tpu.core_type = #tpu.core_type<tc>, window_params = [{transform_indices = @transform_0, window_bounds = array<i64: 1024, 256>}, {transform_indices = @transform_1, window_bounds = array<i64: 1024, 128>}, {pipeline_mode = #tpu.pipeline_mode<synchronous>, transform_indices = @transform_2, window_bounds = array<i64: 2048, 300>}, {pipeline_mode = #tpu.pipeline_mode<synchronous>, transform_indices = @transform_3, window_bounds = array<i64: 1, 2048>}, {transform_indices = @transform_4, window_bounds = array<i64: 1024, 2048>}]} {
    %get3A = arith.constant 0 : index
    %get3A_0 = arith.constant 0 : index
    %get3A_1 = vector.load %arg1[%get3A, %get3A_0] : memref<1024x256xf32, #tpu.memory_space<vmem>>, vector<1024x256xf32>
    %get3A_2 = arith.constant 0 : index
    %get3A_3 = arith.constant 0 : index
    %get3A_4 = vector.load %arg3[%get3A_2, %get3A_3] : memref<2048x300xf32, #tpu.memory_space<vmem>>, vector<2048x256xf32>
    %dot_general3A = arith.constant dense<0.000000e+00> : vector<1024x2048xf32>
    %dot_general3A_5 = tpu.matmul %get3A_1, %get3A_4, %dot_general3A {dimension_numbers = #tpu.dot_dimension_numbers<[1], [1], [0], [0], [0, 0, 1, 0], [], []>, transpose_lhs_hint = false} : vector<1024x256xf32>, vector<2048x256xf32>, vector<1024x2048xf32> -> vector<1024x2048xf32>
    %get3A_6 = arith.constant 0 : index
    %get3A_7 = arith.constant 84 : index
    %get3A_8 = vector.load %arg2[%get3A_6, %get3A_7] : memref<1024x128xf32, #tpu.memory_space<vmem>>, vector<1024x44xf32>
    %get3A_9 = arith.constant 0 : index
    %get3A_10 = arith.constant 256 : index
    %get3A_11 = vector.load %arg3[%get3A_9, %get3A_10] : memref<2048x300xf32, #tpu.memory_space<vmem>>, vector<2048x44xf32>
    %dot_general3A_12 = arith.constant dense<0.000000e+00> : vector<1024x2048xf32>
    %dot_general3A_13 = tpu.matmul %get3A_8, %get3A_11, %dot_general3A_12 {dimension_numbers = #tpu.dot_dimension_numbers<[1], [1], [0], [0], [0, 0, 1, 0], [], []>, transpose_lhs_hint = false} : vector<1024x44xf32>, vector<2048x44xf32>, vector<1024x2048xf32> -> vector<1024x2048xf32>
    %add3A = arith.addf %dot_general3A_5, %dot_general3A_13 : vector<1024x2048xf32>
    %get3A_14 = arith.constant 0 : index
    %get3A_15 = arith.constant 0 : index
    %get3A_16 = vector.load %arg4[%get3A_14, %get3A_15] : memref<1x2048xf32, #tpu.memory_space<vmem>>, vector<1x2048xf32>
    %add3A_17 = vector.broadcast %get3A_16 : vector<1x2048xf32> to vector<1024x2048xf32>
    %add3A_18 = arith.addf %add3A, %add3A_17 : vector<1024x2048xf32>
    %swap3A = arith.constant 0 : index
    %swap3A_19 = arith.constant 0 : index
    %swap3A_20 = vector.load %arg5[%swap3A, %swap3A_19] : memref<1024x2048xf32, #tpu.memory_space<vmem>>, vector<1024x2048xf32>
    tpu.vector_store %arg5[%swap3A, %swap3A_19], %add3A_18 {strides = array<i32>} : memref<1024x2048xf32, #tpu.memory_space<vmem>>, vector<1024x2048xf32>,
    return
  }
  func.func @transform_0(%arg0: i32) -> (i32, i32) {
    %c0_i32 = arith.constant 0 : i32
    %c0_i32_0 = arith.constant 0 : i32
    return %arg0, %c0_i32 : i32, i32
  }
  func.func @transform_1(%arg0: i32) -> (i32, i32) {
    %c0_i32 = arith.constant 0 : i32
    %c0_i32_0 = arith.constant 0 : i32
    return %arg0, %c0_i32 : i32, i32
  }
  func.func @transform_2(%arg0: i32) -> (i32, i32) {
    %c0_i32 = arith.constant 0 : i32
    %c0_i32_0 = arith.constant 0 : i32
    %c0_i32_1 = arith.constant 0 : i32
    return %c0_i32, %c0_i32_0 : i32, i32
  }
  func.func @transform_3(%arg0: i32) -> (i32, i32) {
    %c0_i32 = arith.constant 0 : i32
    %c0_i32_0 = arith.constant 0 : i32
    %c0_i32_1 = arith.constant 0 : i32
    return %c0_i32, %c0_i32_0 : i32, i32
  }
  func.func @transform_4(%arg0: i32) -> (i32, i32) {
    %c0_i32 = arith.constant 0 : i32
    %c0_i32_0 = arith.constant 0 : i32
    return %arg0, %c0_i32 : i32, i32
  }
}

</mosaic_0001>

<sc_bundles>
// kernel: kernel.4.cloned.1.call-start
scs
__scs_entry_jumppad:
0x0: {  	(pc) =	sbr.rel $0x88, $3  }
0x1: {  	(tag) =	ssettag $0x0;
	lr =	simm.s32 $0x1  }
0x2: {  	[smem:$0x3F9D] =	sst lr;
	_ =	strace $0xD0000000  }
0x3: {  	_ = 	snop  }
0x4: {  	_ = 	snop  }
0x5: {  	_ = 	snop  }
0x6: {  	_ = 	snop  }
0x7: {  	_ = 	snop  }
__scs_overlays_trampoline_lowered:
0x8: {  	[smem:$0x3FAC] =	sst s0  }
0x9: {  	[smem:$0x3FAD] =	sst s1  }
0xa: {  	[smem:$0x3FAE] =	sst s2  }
0xb: {  	[smem:$0x3FAF] =	sst s3  }
0xc: {  	[smem:$0x3FB0] =	sst s4  }
0xd: {  	[smem:$0x3FB1] =	sst s5  }
0xe: {  	[smem:$0x3FB2] =	sst s6  }
0xf: {  	[smem:$0x3FB3] =	sst s7  }
0x10: {  	[smem:$0x3FB4] =	sst s8  }
0x11: {  	[smem:$0x3FB5] =	sst s9;
	s0 =	simm.s32 @!p0 $0x0  }
0x12: {  	s1 =	sld [smem:$0x3F9B];
	s0 =	simm.s32 @p0 $0x1  }
0x13: {  	[smem:$0x3FB6] =	sst s0;
	s0 =	simm.s32 @!p1 $0x0  }
0x14: {  	s2 =	sld [smem:$0x3F9A];
	s0 =	simm.s32 @p1 $0x1  }
0x15: {  	[smem:$0x3FB7] =	sst s0;
	s0 =	simm.s32 @!p2 $0x0  }
0x16: {  	s3 =	sld [smem:$0x3FDB];
	s0 =	simm.s32 @p2 $0x1  }
0x17: {  	s4 =	simm.s32 $0x1BF5;
	[smem:$0x3FB9] =	sst s0  }
0x18: {  	s0 =	sld [smem:$0x3F9C];
	_ =	swait.ge [sflag:s4], $0x0  }
0x19: {  	s7 =	sld [smem:$0x3F9D]  }
0x1a: {  	s8 =	sadd.s32 $0xFFFFE003, lr  }
0x1b: {  	s9 =	sadd.s32 $0xFFFFFEF7, lr;
	s5 =	simm.s32 $0xFFFFFFFF;
	p2 =	slt.u32 s8, $0xFFFFF086  }
0x1c: {  	p1 =	slt.u32 s9, $0xF7A;
	s5 =	simm.s32 @!p2 $0x0  }
0x1d: {  	s5 =	simm.s32 @p1 $0x1;
	p0 =	seq.s32 s7, s2  }
0x1e: {  	s7 =	smul.u32 @!p0 $0xF7A, s2;
	p2 =	seq.s32 @!p0 s5, $0x0  }
0x1f: {  	s9 =	smul.u32 $0xF7A, s1;
	s8 =	simm.s32 @!p0 $0x1BF5;
	p2 =	por !p2, p0  }
0x20: {  	[sflag:s8] =	ssyncset.s32 @!p0 $0xFFFFF086;
	s6 =	sadd.s32 @!p0 s3, s7;
	s7 =	simm.s32 @!p0 $0x108  }
0x21: {  	s3 =	sadd.s32 s3, s9;
	s6 =	sadd.s32 @!p0 $0x88, s6;
	s7 =	simm.s32 @p2 $0x1082  }
0x22: {  	[simem:s7], [sflag:s8] =	dma.local @!p0 [hbm:s6], $0xF7A  }
0x23: {  	s9 =	sor.u32 $0xD0000000, s2;
	s6 =	simm.s32 $0x108;
	_ =	swait.ge @!p0 [sflag:s8], $0x0  }
0x24: {  	s3 =	sadd.s32 $0x88, s3;
	s6 =	simm.s32 @!p1 $0x1082;
	[sflag:s4] =	ssyncset.s32 $0xFFFFF086  }
0x25: {  	[simem:s6], [sflag:s4] =	dma.local [hbm:s3], $0xF7A  }
0x26: {  	[smem:$0x3F9D] =	sst s1;
	(tag) =	ssettag s2;
	_ =	strace s9  }
0x27: {  	s1 =	sld [smem:$0x3FAD]  }
0x28: {  	s2 =	sld [smem:$0x3FAE]  }
0x29: {  	s4 =	sld [smem:$0x3FB0]  }
0x2a: {  	p0 =	seq.s32 s5, $0x0;
	s5 =	sld [smem:$0x3FB1]  }
0x2b: {  	s6 =	sld [smem:$0x3FB2]  }
0x2c: {  	s7 =	sld [smem:$0x3FB3]  }
0x2d: {  	s3 =	simm.s32 $0x108;
	s8 =	sld [smem:$0x3FB4]  }
0x2e: {  	s3 =	simm.s32 @!p0 $0x1082;
	s9 =	sld [smem:$0x3FB5]  }
0x2f: {  	lr =	sadd.s32 s0, s3;
	s0 =	sld [smem:$0x3FAC]  }
0x30: {  	s3 =	sld [smem:$0x3FAF]  }
0x31: {  	[smem:$0x3FB8] =	sst s10  }
0x32: {  	s10 =	sld [smem:$0x3FB6];
	_ =	sdelay $0x3  }
0x33: {  	p0 =	seq.s32 s10, $0x1;
	s10 =	sld [smem:$0x3FB8];
	_ =	sdelay $0x3  }
0x34: {  	[smem:$0x3FB8] =	sst s10  }
0x35: {  	s10 =	sld [smem:$0x3FB7];
	_ =	sdelay $0x3  }
0x36: {  	p1 =	seq.s32 s10, $0x1;
	s10 =	sld [smem:$0x3FB8];
	_ =	sdelay $0x3  }
0x37: {  	[smem:$0x3FB8] =	sst s10  }
0x38: {  	s10 =	sld [smem:$0x3FB9]  }
0x39: {  	_ = 	snop;
	(pc) =	sbr.ind lr, $3  }
0x3a: {  	_ = 	snop  }
0x3b: {  	_ = 	snop  }
0x3c: {  	p2 =	seq.s32 s10, $0x1;
	s10 =	sld [smem:$0x3FB8]  }
0x3d: {  	_ =	shalt  }
0x3e: {  	_ =	shalt  }
0x3f: {  	_ =	shalt  }
0x40: {  	_ =	shalt  }
0x41: {  	_ =	shalt  }
0x42: {  	_ =	shalt  }
0x43: {  	_ =	shalt  }
0x44: {  	_ =	shalt  }
0x45: {  	_ =	shalt  }
0x46: {  	_ =	shalt  }
0x47: {  	_ =	shalt  }
0x48: {  	_ =	shalt  }
0x49: {  	_ =	shalt  }
0x4a: {  	_ =	shalt  }
0x4b: {  	_ =	shalt  }
0x4c: {  	_ =	shalt  }
0x4d: {  	_ =	shalt  }
0x4e: {  	_ =	shalt  }
0x4f: {  	_ =	shalt  }
0x50: {  	_ =	shalt  }
0x51: {  	_ =	shalt  }
0x52: {  	_ =	shalt  }
0x53: {  	_ =	shalt  }
0x54: {  	_ =	shalt  }
0x55: {  	_ =	shalt  }
0x56: {  	_ =	shalt  }
0x57: {  	_ =	shalt  }
0x58: {  	_ =	shalt  }
0x59: {  	_ =	shalt  }
0x5a: {  	_ =	shalt  }
0x5b: {  	_ =	shalt  }
0x5c: {  	_ =	shalt  }
0x5d: {  	_ =	shalt  }
0x5e: {  	_ =	shalt  }
0x5f: {  	_ =	shalt  }
0x60: {  	_ =	shalt  }
0x61: {  	_ =	shalt  }
0x62: {  	_ =	shalt  }
0x63: {  	_ =	shalt  }
0x64: {  	_ =	shalt  }
0x65: {  	_ =	shalt  }
0x66: {  	_ =	shalt  }
0x67: {  	_ =	shalt  }
0x68: {  	_ =	shalt  }
0x69: {  	_ =	shalt  }
0x6a: {  	_ =	shalt  }
0x6b: {  	_ =	shalt  }
0x6c: {  	_ =	shalt  }
0x6d: {  	_ =	shalt  }
0x6e: {  	_ =	shalt  }
0x6f: {  	_ =	shalt  }
0x70: {  	_ =	shalt  }
0x71: {  	_ =	shalt  }
0x72: {  	_ =	shalt  }
0x73: {  	_ =	shalt  }
0x74: {  	_ =	shalt  }
0x75: {  	_ =	shalt  }
0x76: {  	_ =	shalt  }
0x77: {  	_ =	shalt  }
0x78: {  	_ =	shalt  }
0x79: {  	_ =	shalt  }
0x7a: {  	_ =	shalt  }
0x7b: {  	_ =	shalt  }
0x7c: {  	_ =	shalt  }
0x7d: {  	_ =	shalt  }
0x7e: {  	_ =	shalt  }
0x7f: {  	_ =	shalt  }
0x80: {  	_ =	shalt  }
0x81: {  	_ =	shalt  }
0x82: {  	_ =	shalt  }
0x83: {  	_ =	shalt  }
0x84: {  	_ =	shalt  }
0x85: {  	_ =	shalt  }
0x86: {  	_ =	shalt  }
0x87: {  	_ =	shalt  }
.Lfunc_end0:
.L_simem_size_0:
called_computation_lowered:
.L_overlay_start_0:
0x88: {  	s2 =	sld [smem:$0x3FD9]  }
0x89: {  	s3 =	sld [smem:$0x3FFE];
	_ =	sdelay $0x1  }
0x8a: {  	s1 =	srdreg.scid  }
0x8b: {  	s0 =	sand.u32 $0x1, s1  }
0x8c: {  	s17 =	sshll.u32 s0, $0xA;
	s2 =	sadd.s32 s3, s2  }
0x8d: {  	s2 =	sadd.s32 s2, s17  }
0x8e: {  	[smem:$0x3FC4] =	sst s2  }
0x8f: {  	_ = 	snop  }
0x90: {  	s2 =	sld [smem:$0x3FC9]  }
0x91: {  	s18 =	sld [smem:$0x3FD0];
	(tm) =	ssettm $0x1  }
0x92: {  	s4 =	sld [smem:$0x3FFB];
	_ =	sdelay $0x3  }
0x93: {  	_ =	strace s4  }
0x94: {  	s4 =	sld [smem:$0x3FFC];
	_ =	sdelay $0x3  }
0x95: {  	_ =	strace s4  }
0x96: {  	s4 =	sld [smem:$0x3FFD];
	_ =	sdelay $0x3  }
0x97: {  	_ =	strace s4  }
0x98: {  	_ =	strace $0x8FFFFFFF  }
0x99: {  	s19 =	sld [smem:$0x3FDB];
	_ =	sdelay $0x1  }
0x9a: {  	s5 =	simm.s32 $_scs_section_size  }
0x9b: {  	s6 =	simm.s32 $_size__tile_overlayer_lowered;
	s7 =	simm.s32 $_tile_overlayer_lowered  }
0x9c: {  	s22 =	simm.s32 $0x1BFF;
	s21 =	sshll.u32 s7, $0x1;
	s4 =	sadd.s32 s5, s19  }
0x9d: {  	s8 =	simm.s32 $0x0;
	s20 =	sshll.u32 s6, $0x1;
	s6 =	sadd.s32 s21, s4  }
0x9e: {  	[timem:s8], [sflag:s22] =	dma.local [hbm:s6], s20  }
0x9f: {  	_ =	swait.ge [sflag:s22], s20  }
0xa0: {  	s5 =	ssub.s32 $0x0, s20;
	[sflag:s22] =	ssyncset.done $0x0  }
0xa1: {  	[sflag:s22] =	ssyncadd.s32 s5;
	_ =	sdelay $0x1  }
0xa2: {  	s23 =	simm.s32 $0x1B8B  }
0xa3: {  	_ =	swait.ge [sflag:s23], $0x1  }
0xa4: {  	[sflag:s23] =	ssyncset.done $0x0  }
0xa5: {  	s25 =	simm.s32 $0x1B8E;
	s24 =	sld [smem:$0x3FFE];
	[sflag:s23] =	ssyncadd.s32 $0xFFFFFFFF  }
0xa6: {  	s26 =	simm.s32 $execute0_lowered;
	[smem:$0x3FD2] =	sst s25  }
0xa7: {  	s6 =	sshll.u32 s26, $0x1;
	_ =	strace $0x80000046;
	[dreg:$0x1] =	wrdreg $0xFFFFFFFF  }
0xa8: {  	s28 =	simm.s32 $_size_execute0_lowered;
	s4 =	sadd.s32 s4, s6;
	[dreg:$0x0] =	wrdreg $0x0  }
0xa9: {  	s6 =	sshll.u32 s28, $0x1;
	[dreg:$0x2] =	wrdreg s4  }
0xaa: {  	[dreg:$0x3] =	wrdreg s6  }
0xab: {  	[dreg:$0x4] =	wrdreg $0xC0  }
0xac: {  	_ =	task [dreg:s8], $0x5FFFF  }
0xad: {  	[dreg:$0x1] =	wrdreg $0xFFFFFFFF  }
0xae: {  	[dreg:$0x0] =	wrdreg $0x60  }
0xaf: {  	[dreg:$0x2] =	wrdreg s2  }
0xb0: {  	[dreg:$0x3] =	wrdreg s24  }
0xb1: {  	[dreg:$0x4] =	wrdreg s18  }
0xb2: {  	[dreg:$0x5] =	wrdreg $0x9  }
0xb3: {  	_ =	task.clear_ibuf [dreg:s8], $0x6FFFF;
	_ =	strace $0x90000046  }
0xb4: {  	s29 =	simm.s32 $0x9;
	_ =	strace $0x80000048  }
0xb5: {  	_ =	swait.ge [sflag:s29], $0x1  }
0xb6: {  	[sflag:s29] =	ssyncadd.s32 $0xFFFFFFFF  }
0xb7: {  	_ =	strace $0x90000048  }
0xb8: {  	_ =	sfence  }
0xb9: {  	s30 =	sld [smem:$0x0];
	_ =	sdelay $0x2  }
0xba: {  	s31 =	sshll.u32 s1, $0xD;
	s1 =	sshrl.u32 s1, $0x2  }
0xbb: {  	s3 =	sand.u32 $0x4000, s31;
	s1 =	sadd.s32 s1, s30  }
0xbc: {  	s0 =	sor.u32 s3, s0;
	s1 =	sshll.u32 s1, $0x11  }
0xbd: {  	s0 =	sor.u32 s1, s0  }
0xbe: {  	s0 =	sadd.s32 $0x8F2B, s0  }
0xbf: {  	[sflag:s0] =	ssyncadd.remote.s32 $0x1  }
0xc0: {  	_ =	sfence.sel $0xFFFF  }
0xc1: {  	[dreg:$0x0] =	wrdreg $0xFFFFFFFF;
	(pc) =	sbr.abs _section_cstart, $3  }
0xc2: {  	[dreg:$0x1] =	wrdreg $0xFFFFFFFF  }
0xc3: {  	_ =	task.clear_ibuf [dreg:s8], $0x2FFFF;
	_ =	strace $0x9FFFFFFF  }
0xc4: {  	(tm) =	ssettm $0x7FFFFFFF  }
0xc5: {  	_ =	shalt  }
tec
execute0_lowered:
.L_overlay_start_1:
0x0: {  	(tag) =	ssettag $0x1  }
0x1: {  	s0 =	rddreg [dreg:$0x0]  }
0x2: {  	s1 =	rddreg [dreg:$0x1]  }
0x3: {  	s3 =	srdreg.scid;
	s4 =	stileid.u32;
	s28 =	simm.s32 $0x1900  }
0x4: {  	s29 =	simm.s32 $0x2100;
	s30 =	simm.s32 $0x2900;
	s31 =	simm.s32 $0x3100  }
0x5: {  	s5 =	sand.u32 $0x1, s3;
	s3 =	simm.s32 $0x0;
	s4 =	sshll.u32 s4, $0xA  }
0x6: {  	s10 =	sadd.s32 $0x4D4C00, s1;
	s6 =	sshll.u32 s5, $0x9;
	[smem:$0x7FF] =	sst s3  }
0x7: {  	s5 =	ssub.s32 $0x2, s5;
	s6 =	sor.u32 s6, s4;
	_ =	strace $0x80000047  }
0x8: {  	s4 =	sadd.s32 $0xE00, s1;
	s1 =	sadd.s32 $0x494C00, s1;
	s16 =	sshrl.u32 s5, $0x1  }
0x9: {  	s7 =	sshrl.u32 s6, $0x3;
	s8 =	sor.u32 $0x80, s6;
	s11 =	sshll.u32 s6, $0x5  }
0xa: {  	s12 =	sshll.u32 s6, $0x4;
	s5 =	ssub.s32 s5, s16;
	s16 =	simm.s32 $0x8100  }
0xb: {  	s7 =	sadd.s32 s0, s7;
	s9 =	sshrl.u32 s8, $0x3;
	s13 =	sadd.s32 s1, s12  }
0xc: {  	s17 =	sshll.u32 s8, $0x5;
	s8 =	sshll.u32 s8, $0x4;
	s5 =	smax.u32 s5, $0x1  }
0xd: {  	s12 =	simm.s32 $0x6900;
	[dreg:$0x4] =	wrdreg s7;
	s9 =	sadd.s32 s0, s9  }
0xe: {  	s7 =	sadd.s32 s10, s11;
	s11 =	sor.u32 $0x100, s6;
	[dreg:$0x7] =	wrdreg s13  }
0xf: {  	s6 =	sor.u32 $0x180, s6;
	s18 =	sadd.s32 s1, s8;
	[dreg:$0x5] =	wrdreg s9  }
0x10: {  	s8 =	simm.s32 $0x4900;
	s13 =	simm.s32 $0x7100;
	[dreg:$0x6] =	wrdreg s7  }
0x11: {  	s14 =	sshrl.u32 s11, $0x3;
	s7 =	sadd.s32 s10, s17;
	s19 =	sshrl.u32 s6, $0x3  }
0x12: {  	[dreg:$0xa] =	wrdreg s18;
	s20 =	sshll.u32 s11, $0x5;
	s22 =	sshll.u32 s11, $0x4  }
0x13: {  	s24 =	sshll.u32 s6, $0x5;
	s6 =	sshll.u32 s6, $0x4;
	s18 =	simm.s32 $0x3  }
0x14: {  	s9 =	simm.s32 $0x5100;
	s11 =	simm.s32 $0x6100;
	s17 =	simm.s32 $0x80  }
0x15: {  	s15 =	sadd.s32 s0, s14;
	[dreg:$0x9] =	wrdreg s7;
	s0 =	sadd.s32 s0, s19  }
0x16: {  	s21 =	sadd.s32 s10, s20;
	s23 =	sadd.s32 s1, s22;
	[dreg:$0x8] =	wrdreg s15  }
0x17: {  	s25 =	sadd.s32 s10, s24;
	s26 =	sadd.s32 s1, s6;
	[dreg:$0xb] =	wrdreg s0  }
0x18: {  	s6 =	simm.s32 $0x5;
	s19 =	simm.s32 $0x2;
	[dreg:$0xc] =	wrdreg s21  }
0x19: {  	s20 =	simm.s32 $0x4;
	s22 =	simm.s32 $0x900;
	[dreg:$0xd] =	wrdreg s23  }
0x1a: {  	v2 =	vlaneseq.u32;
	s1 =	simm.s32 $0x4100;
	s10 =	simm.s32 $0x5900;
	[dreg:$0xe] =	wrdreg s25  }
0x1b: {  	vm0 =	vmmov $0xffff;
	v1 =	vshrl.u32 v2, $0x3;
	s14 =	simm.s32 $0x7900;
	s24 =	simm.s32 $0xA100;
	[dreg:$0xf] =	wrdreg s26  }
0x1c: {  	v0 =	vand.u32 $0x7, v2;
	v2 =	vor.u32 $0x8, v2;
	v1 =	vmul.u32 $0x8, v1;
	s23 =	simm.s32 $0x1;
	s26 =	simm.s32 $0x1100;
	s25 =	simm.s32 $0x10100  }
.LBB2_1:
0x1d: {  	s21 =	rddreg [dreg:$0x4]  }
0x1e: {  	[tilespmem:s3], [sflag:$0x5] =	stream.linear.gather [hbm4b:s21+s3], $0x80, $0x38;
	[tilespmem:$0x18100] =	vst v63  }
0x1f: {  	_ =	swait.ge [sflag:s6], $0x80  }
0x20: {  	[sflag:s6] =	ssyncset.done $0x0  }
0x21: {  	[sflag:s6] =	ssyncadd.s32 $0xFFFFFF80  }
0x22: {  	v3 =	vld [tilespmem:$0x0];
	_ =	sdelay $0x4  }
0x23: {  	v4 =	vshrl.u32 v3, $0x3  }
0x24: {  	v4 =	vmul.u32 $0x18, v4  }
0x25: {  	v3 =	vand.u32 $0x7, v3  }
0x26: {  	v3 =	vor.u32 v3, v4  }
0x27: {  	v4 =	vperm.xlane v3, v0;
	_ =	sdelay $0x1  }
0x28: {  	v3 =	vperm.xlane v3, v2;
	v4 =	vadd.s32 v1, v4;
	_ =	sdelay $0x1  }
0x29: {  	v3 =	vadd.s32 v1, v3;
	_ =	sdelay $0x1  }
0x2a: {  	s0 =	simm.s32 $0x100  }
0x2b: {  	[tilespmem:s0], [sflag:$0x1] =	stream.indirect_vreg.gather [hbm4b:s4+s3], $0x80, v4, vm0, $0xb8;
	[tilespmem:$0x18100] =	vst v63  }
0x2c: {  	_ = 	snop  }
0x2d: {  	[tilespmem:s22], [sflag:$0x1] =	stream.indirect_vreg.gather [hbm4b:s4+s3], $0x80, v3, vm0, $0xb8;
	[tilespmem:$0x18100] =	vst v63  }
0x2e: {  	v3 =	vld [tilespmem:$0x10];
	_ =	sdelay $0x4  }
0x2f: {  	v33 =	vshrl.u32 v3, $0x3  }
0x30: {  	v4 =	vmul.u32 $0x18, v33  }
0x31: {  	v3 =	vand.u32 $0x7, v3  }
0x32: {  	v3 =	vor.u32 v3, v4  }
0x33: {  	v4 =	vperm.xlane v3, v0;
	_ =	sdelay $0x1  }
0x34: {  	v3 =	vperm.xlane v3, v2;
	v4 =	vadd.s32 v1, v4;
	_ =	sdelay $0x1  }
0x35: {  	v3 =	vadd.s32 v1, v3;
	_ =	sdelay $0x2  }
0x36: {  	[tilespmem:s26], [sflag:$0x1] =	stream.indirect_vreg.gather [hbm4b:s4+s3], $0x80, v4, vm0, $0xb8;
	[tilespmem:$0x18100] =	vst v63  }
0x37: {  	_ = 	snop  }
0x38: {  	[tilespmem:s28], [sflag:$0x1] =	stream.indirect_vreg.gather [hbm4b:s4+s3], $0x80, v3, vm0, $0xb8;
	[tilespmem:$0x18100] =	vst v63  }
0x39: {  	v3 =	vld [tilespmem:$0x20];
	_ =	sdelay $0x4  }
0x3a: {  	v34 =	vshrl.u32 v3, $0x3  }
0x3b: {  	v4 =	vmul.u32 $0x18, v34  }
0x3c: {  	v3 =	vand.u32 $0x7, v3  }
0x3d: {  	v3 =	vor.u32 v3, v4  }
0x3e: {  	v4 =	vperm.xlane v3, v0;
	_ =	sdelay $0x1  }
0x3f: {  	v3 =	vperm.xlane v3, v2;
	v4 =	vadd.s32 v1, v4;
	_ =	sdelay $0x1  }
0x40: {  	v3 =	vadd.s32 v1, v3;
	_ =	sdelay $0x2  }
0x41: {  	[tilespmem:s29], [sflag:$0x1] =	stream.indirect_vreg.gather [hbm4b:s4+s3], $0x80, v4, vm0, $0xb8;
	[tilespmem:$0x18100] =	vst v63  }
0x42: {  	_ = 	snop  }
0x43: {  	[tilespmem:s30], [sflag:$0x1] =	stream.indirect_vreg.gather [hbm4b:s4+s3], $0x80, v3, vm0, $0xb8;
	[tilespmem:$0x18100] =	vst v63  }
0x44: {  	v3 =	vld [tilespmem:$0x30];
	_ =	sdelay $0x4  }
0x45: {  	v35 =	vshrl.u32 v3, $0x3  }
0x46: {  	v4 =	vmul.u32 $0x18, v35  }
0x47: {  	v3 =	vand.u32 $0x7, v3  }
0x48: {  	v3 =	vor.u32 v3, v4  }
0x49: {  	v4 =	vperm.xlane v3, v0;
	_ =	sdelay $0x1  }
0x4a: {  	v3 =	vperm.xlane v3, v2;
	v4 =	vadd.s32 v1, v4;
	_ =	sdelay $0x1  }
0x4b: {  	v3 =	vadd.s32 v1, v3;
	_ =	sdelay $0x2  }
0x4c: {  	[tilespmem:s31], [sflag:$0x1] =	stream.indirect_vreg.gather [hbm4b:s4+s3], $0x80, v4, vm0, $0xb8;
	[tilespmem:$0x18100] =	vst v63  }
0x4d: {  	s0 =	simm.s32 $0x3900  }
0x4e: {  	[tilespmem:s0], [sflag:$0x1] =	stream.indirect_vreg.gather [hbm4b:s4+s3], $0x80, v3, vm0, $0xb8;
	[tilespmem:$0x18100] =	vst v63  }
0x4f: {  	v3 =	vld [tilespmem:$0x40];
	_ =	sdelay $0x4  }
0x50: {  	v36 =	vshrl.u32 v3, $0x3  }
0x51: {  	v4 =	vmul.u32 $0x18, v36  }
0x52: {  	v3 =	vand.u32 $0x7, v3  }
0x53: {  	v3 =	vor.u32 v3, v4  }
0x54: {  	v4 =	vperm.xlane v3, v0;
	_ =	sdelay $0x1  }
0x55: {  	v3 =	vperm.xlane v3, v2;
	v4 =	vadd.s32 v1, v4;
	_ =	sdelay $0x1  }
0x56: {  	v3 =	vadd.s32 v1, v3;
	_ =	sdelay $0x2  }
0x57: {  	[tilespmem:s1], [sflag:$0x1] =	stream.indirect_vreg.gather [hbm4b:s4+s3], $0x80, v4, vm0, $0xb8;
	[tilespmem:$0x18100] =	vst v63  }
0x58: {  	_ = 	snop  }
0x59: {  	[tilespmem:s8], [sflag:$0x1] =	stream.indirect_vreg.gather [hbm4b:s4+s3], $0x80, v3, vm0, $0xb8;
	[tilespmem:$0x18100] =	vst v63  }
0x5a: {  	v3 =	vld [tilespmem:$0x50];
	_ =	sdelay $0x4  }
0x5b: {  	v37 =	vshrl.u32 v3, $0x3  }
0x5c: {  	v4 =	vmul.u32 $0x18, v37  }
0x5d: {  	v3 =	vand.u32 $0x7, v3  }
0x5e: {  	v3 =	vor.u32 v3, v4  }
0x5f: {  	v4 =	vperm.xlane v3, v0;
	_ =	sdelay $0x1  }
0x60: {  	v3 =	vperm.xlane v3, v2;
	v4 =	vadd.s32 v1, v4;
	_ =	sdelay $0x1  }
0x61: {  	v3 =	vadd.s32 v1, v3;
	_ =	sdelay $0x2  }
0x62: {  	[tilespmem:s9], [sflag:$0x1] =	stream.indirect_vreg.gather [hbm4b:s4+s3], $0x80, v4, vm0, $0xb8;
	[tilespmem:$0x18100] =	vst v63  }
0x63: {  	_ = 	snop  }
0x64: {  	[tilespmem:s10], [sflag:$0x1] =	stream.indirect_vreg.gather [hbm4b:s4+s3], $0x80, v3, vm0, $0xb8;
	[tilespmem:$0x18100] =	vst v63  }
0x65: {  	v3 =	vld [tilespmem:$0x60];
	_ =	sdelay $0x4  }
0x66: {  	v38 =	vshrl.u32 v3, $0x3  }
0x67: {  	v4 =	vmul.u32 $0x18, v38  }
0x68: {  	v3 =	vand.u32 $0x7, v3  }
0x69: {  	v3 =	vor.u32 v3, v4  }
0x6a: {  	v4 =	vperm.xlane v3, v0;
	_ =	sdelay $0x1  }
0x6b: {  	v3 =	vperm.xlane v3, v2;
	v4 =	vadd.s32 v1, v4;
	_ =	sdelay $0x1  }
0x6c: {  	v3 =	vadd.s32 v1, v3;
	_ =	sdelay $0x2  }
0x6d: {  	[tilespmem:s11], [sflag:$0x1] =	stream.indirect_vreg.gather [hbm4b:s4+s3], $0x80, v4, vm0, $0xb8;
	[tilespmem:$0x18100] =	vst v63  }
0x6e: {  	_ = 	snop  }
0x6f: {  	[tilespmem:s12], [sflag:$0x1] =	stream.indirect_vreg.gather [hbm4b:s4+s3], $0x80, v3, vm0, $0xb8;
	[tilespmem:$0x18100] =	vst v63  }
0x70: {  	v3 =	vld [tilespmem:$0x70];
	_ =	sdelay $0x4  }
0x71: {  	v39 =	vshrl.u32 v3, $0x3  }
0x72: {  	v4 =	vmul.u32 $0x18, v39  }
0x73: {  	v3 =	vand.u32 $0x7, v3  }
0x74: {  	v3 =	vor.u32 v3, v4  }
0x75: {  	v4 =	vperm.xlane v3, v0;
	_ =	sdelay $0x1  }
0x76: {  	v3 =	vperm.xlane v3, v2;
	v4 =	vadd.s32 v1, v4;
	_ =	sdelay $0x1  }
0x77: {  	v3 =	vadd.s32 v1, v3;
	_ =	sdelay $0x2  }
0x78: {  	[tilespmem:s13], [sflag:$0x1] =	stream.indirect_vreg.gather [hbm4b:s4+s3], $0x80, v4, vm0, $0xb8;
	[tilespmem:$0x18100] =	vst v63  }
0x79: {  	_ = 	snop  }
0x7a: {  	[tilespmem:s14], [sflag:$0x1] =	stream.indirect_vreg.gather [hbm4b:s4+s3], $0x80, v3, vm0, $0xb8;
	[tilespmem:$0x18100] =	vst v63  }
0x7b: {  	s7 =	rddreg [dreg:$0x2]  }
0x7c: {  	[tilespmem:s25], [sflag:$0x3] =	stream.indirect.gather [hbm4b:s7+s17], $0x80, s3, s17, $0xb8;
	[tilespmem:$0x18100] =	vst v63  }
0x7d: {  	s15 =	rddreg [dreg:$0x5]  }
0x7e: {  	[tilespmem:s17], [sflag:$0x5] =	stream.linear.gather [hbm4b:s15+s3], $0x80, $0x38;
	[tilespmem:$0x18100] =	vst v63  }
0x7f: {  	_ =	swait.ge [sflag:s6], $0x80  }
0x80: {  	[sflag:s6] =	ssyncset.done $0x0  }
0x81: {  	[sflag:s6] =	ssyncadd.s32 $0xFFFFFF80  }
0x82: {  	v3 =	vld [tilespmem:$0x80];
	_ =	sdelay $0x4  }
0x83: {  	v40 =	vshrl.u32 v3, $0x3  }
0x84: {  	v4 =	vmul.u32 $0x18, v40  }
0x85: {  	v3 =	vand.u32 $0x7, v3  }
0x86: {  	v3 =	vor.u32 v3, v4  }
0x87: {  	v4 =	vperm.xlane v3, v0;
	_ =	sdelay $0x1  }
0x88: {  	v3 =	vperm.xlane v3, v2;
	v4 =	vadd.s32 v1, v4;
	_ =	sdelay $0x1  }
0x89: {  	v3 =	vadd.s32 v1, v3;
	_ =	sdelay $0x2  }
0x8a: {  	[tilespmem:s16], [sflag:$0x2] =	stream.indirect_vreg.gather [hbm4b:s4+s3], $0x80, v4, vm0, $0xb8;
	[tilespmem:$0x18100] =	vst v63  }
0x8b: {  	s2 =	simm.s32 $0x8900  }
0x8c: {  	[tilespmem:s2], [sflag:$0x2] =	stream.indirect_vreg.gather [hbm4b:s4+s3], $0x80, v3, vm0, $0xb8;
	[tilespmem:$0x18100] =	vst v63  }
0x8d: {  	v3 =	vld [tilespmem:$0x90];
	_ =	sdelay $0x4  }
0x8e: {  	v41 =	vshrl.u32 v3, $0x3  }
0x8f: {  	v4 =	vmul.u32 $0x18, v41  }
0x90: {  	v3 =	vand.u32 $0x7, v3  }
0x91: {  	v3 =	vor.u32 v3, v4  }
0x92: {  	v4 =	vperm.xlane v3, v0;
	_ =	sdelay $0x1  }
0x93: {  	v3 =	vperm.xlane v3, v2;
	v4 =	vadd.s32 v1, v4;
	_ =	sdelay $0x1  }
0x94: {  	v3 =	vadd.s32 v1, v3;
	_ =	sdelay $0x1  }
0x95: {  	s21 =	simm.s32 $0x9100  }
0x96: {  	[tilespmem:s21], [sflag:$0x2] =	stream.indirect_vreg.gather [hbm4b:s4+s3], $0x80, v4, vm0, $0xb8;
	[tilespmem:$0x18100] =	vst v63  }
0x97: {  	s15 =	simm.s32 $0x9900  }
0x98: {  	[tilespmem:s15], [sflag:$0x2] =	stream.indirect_vreg.gather [hbm4b:s4+s3], $0x80, v3, vm0, $0xb8;
	[tilespmem:$0x18100] =	vst v63  }
0x99: {  	v3 =	vld [tilespmem:$0xA0];
	_ =	sdelay $0x4  }
0x9a: {  	v42 =	vshrl.u32 v3, $0x3  }
0x9b: {  	v4 =	vmul.u32 $0x18, v42  }
0x9c: {  	v3 =	vand.u32 $0x7, v3  }
0x9d: {  	v3 =	vor.u32 v3, v4  }
0x9e: {  	v4 =	vperm.xlane v3, v0;
	_ =	sdelay $0x1  }
0x9f: {  	v3 =	vperm.xlane v3, v2;
	v4 =	vadd.s32 v1, v4;
	_ =	sdelay $0x1  }
0xa0: {  	v3 =	vadd.s32 v1, v3;
	_ =	sdelay $0x2  }
0xa1: {  	[tilespmem:s24], [sflag:$0x2] =	stream.indirect_vreg.gather [hbm4b:s4+s3], $0x80, v4, vm0, $0xb8;
	[tilespmem:$0x18100] =	vst v63  }
0xa2: {  	s21 =	simm.s32 $0xA900  }
0xa3: {  	[tilespmem:s21], [sflag:$0x2] =	stream.indirect_vreg.gather [hbm4b:s4+s3], $0x80, v3, vm0, $0xb8;
	[tilespmem:$0x18100] =	vst v63  }
0xa4: {  	v3 =	vld [tilespmem:$0xB0];
	_ =	sdelay $0x4  }
0xa5: {  	v43 =	vshrl.u32 v3, $0x3  }
0xa6: {  	v4 =	vmul.u32 $0x18, v43  }
0xa7: {  	v3 =	vand.u32 $0x7, v3  }
0xa8: {  	v3 =	vor.u32 v3, v4  }
0xa9: {  	v4 =	vperm.xlane v3, v0;
	_ =	sdelay $0x1  }
0xaa: {  	v3 =	vperm.xlane v3, v2;
	v4 =	vadd.s32 v1, v4;
	_ =	sdelay $0x1  }
0xab: {  	v3 =	vadd.s32 v1, v3;
	_ =	sdelay $0x1  }
0xac: {  	s15 =	simm.s32 $0xB100  }
0xad: {  	[tilespmem:s15], [sflag:$0x2] =	stream.indirect_vreg.gather [hbm4b:s4+s3], $0x80, v4, vm0, $0xb8;
	[tilespmem:$0x18100] =	vst v63  }
0xae: {  	s21 =	simm.s32 $0xB900  }
0xaf: {  	[tilespmem:s21], [sflag:$0x2] =	stream.indirect_vreg.gather [hbm4b:s4+s3], $0x80, v3, vm0, $0xb8;
	[tilespmem:$0x18100] =	vst v63  }
0xb0: {  	v3 =	vld [tilespmem:$0xC0];
	_ =	sdelay $0x4  }
0xb1: {  	v44 =	vshrl.u32 v3, $0x3  }
0xb2: {  	v4 =	vmul.u32 $0x18, v44  }
0xb3: {  	v3 =	vand.u32 $0x7, v3  }
0xb4: {  	v3 =	vor.u32 v3, v4  }
0xb5: {  	v4 =	vperm.xlane v3, v0;
	_ =	sdelay $0x1  }
0xb6: {  	v3 =	vperm.xlane v3, v2;
	v4 =	vadd.s32 v1, v4;
	_ =	sdelay $0x1  }
0xb7: {  	v3 =	vadd.s32 v1, v3;
	_ =	sdelay $0x1  }
0xb8: {  	s15 =	simm.s32 $0xC100  }
0xb9: {  	[tilespmem:s15], [sflag:$0x2] =	stream.indirect_vreg.gather [hbm4b:s4+s3], $0x80, v4, vm0, $0xb8;
	[tilespmem:$0x18100] =	vst v63  }
0xba: {  	s21 =	simm.s32 $0xC900  }
0xbb: {  	[tilespmem:s21], [sflag:$0x2] =	stream.indirect_vreg.gather [hbm4b:s4+s3], $0x80, v3, vm0, $0xb8;
	[tilespmem:$0x18100] =	vst v63  }
0xbc: {  	v3 =	vld [tilespmem:$0xD0];
	_ =	sdelay $0x4  }
0xbd: {  	v45 =	vshrl.u32 v3, $0x3  }
0xbe: {  	v4 =	vmul.u32 $0x18, v45  }
0xbf: {  	v3 =	vand.u32 $0x7, v3  }
0xc0: {  	v3 =	vor.u32 v3, v4  }
0xc1: {  	v4 =	vperm.xlane v3, v0;
	_ =	sdelay $0x1  }
0xc2: {  	v3 =	vperm.xlane v3, v2;
	v4 =	vadd.s32 v1, v4;
	_ =	sdelay $0x1  }
0xc3: {  	v3 =	vadd.s32 v1, v3;
	_ =	sdelay $0x1  }
0xc4: {  	s15 =	simm.s32 $0xD100  }
0xc5: {  	[tilespmem:s15], [sflag:$0x2] =	stream.indirect_vreg.gather [hbm4b:s4+s3], $0x80, v4, vm0, $0xb8;
	[tilespmem:$0x18100] =	vst v63  }
0xc6: {  	s21 =	simm.s32 $0xD900  }
0xc7: {  	[tilespmem:s21], [sflag:$0x2] =	stream.indirect_vreg.gather [hbm4b:s4+s3], $0x80, v3, vm0, $0xb8;
	[tilespmem:$0x18100] =	vst v63  }
0xc8: {  	v3 =	vld [tilespmem:$0xE0];
	_ =	sdelay $0x4  }
0xc9: {  	v46 =	vshrl.u32 v3, $0x3  }
0xca: {  	v4 =	vmul.u32 $0x18, v46  }
0xcb: {  	v3 =	vand.u32 $0x7, v3  }
0xcc: {  	v3 =	vor.u32 v3, v4  }
0xcd: {  	v4 =	vperm.xlane v3, v0;
	_ =	sdelay $0x1  }
0xce: {  	v3 =	vperm.xlane v3, v2;
	v4 =	vadd.s32 v1, v4;
	_ =	sdelay $0x1  }
0xcf: {  	v3 =	vadd.s32 v1, v3;
	_ =	sdelay $0x1  }
0xd0: {  	s15 =	simm.s32 $0xE100  }
0xd1: {  	[tilespmem:s15], [sflag:$0x2] =	stream.indirect_vreg.gather [hbm4b:s4+s3], $0x80, v4, vm0, $0xb8;
	[tilespmem:$0x18100] =	vst v63  }
0xd2: {  	s21 =	simm.s32 $0xE900  }
0xd3: {  	[tilespmem:s21], [sflag:$0x2] =	stream.indirect_vreg.gather [hbm4b:s4+s3], $0x80, v3, vm0, $0xb8;
	[tilespmem:$0x18100] =	vst v63  }
0xd4: {  	v3 =	vld [tilespmem:$0xF0];
	_ =	sdelay $0x4  }
0xd5: {  	v47 =	vshrl.u32 v3, $0x3  }
0xd6: {  	v4 =	vmul.u32 $0x18, v47  }
0xd7: {  	v3 =	vand.u32 $0x7, v3  }
0xd8: {  	v3 =	vor.u32 v3, v4  }
0xd9: {  	v4 =	vperm.xlane v3, v0;
	_ =	sdelay $0x1  }
0xda: {  	v3 =	vperm.xlane v3, v2;
	v4 =	vadd.s32 v1, v4;
	_ =	sdelay $0x1  }
0xdb: {  	v3 =	vadd.s32 v1, v3;
	_ =	sdelay $0x1  }
0xdc: {  	s15 =	simm.s32 $0xF100  }
0xdd: {  	[tilespmem:s15], [sflag:$0x2] =	stream.indirect_vreg.gather [hbm4b:s4+s3], $0x80, v4, vm0, $0xb8;
	[tilespmem:$0x18100] =	vst v63  }
0xde: {  	s21 =	simm.s32 $0xF900  }
0xdf: {  	[tilespmem:s21], [sflag:$0x2] =	stream.indirect_vreg.gather [hbm4b:s4+s3], $0x80, v3, vm0, $0xb8;
	[tilespmem:$0x18100] =	vst v63  }
0xe0: {  	s2 =	simm.s32 $0x14100  }
0xe1: {  	[tilespmem:s2], [sflag:$0x4] =	stream.indirect.gather [hbm4b:s7+s17], $0x80, s17, s17, $0xb8;
	[tilespmem:$0x18100] =	vst v63  }
0xe2: {  	_ =	swait.ge [sflag:s23], $0x8000  }
0xe3: {  	[sflag:s23] =	ssyncset.done $0x0  }
0xe4: {  	[sflag:s23] =	ssyncadd.s32 $0xFFFF8000  }
0xe5: {  	_ =	swait.ge [sflag:s18], $0x4000  }
0xe6: {  	[sflag:s18] =	ssyncset.done $0x0  }
0xe7: {  	s15 =	simm.s32 $0x100;
	s21 =	rddreg [dreg:$0x6];
	[sflag:s18] =	ssyncadd.s32 $0xFFFFC000  }
0xe8: {  	[hbm4b:s21+s3] =	stream.linear.scatter [tilespmem:s15], [sflag:$0x5], $0x8000, $0x38;
	[tilespmem:$0x18100] =	vst v63  }
0xe9: {  	_ =	swait.ge [sflag:s6], $0x8000  }
0xea: {  	[sflag:s6] =	ssyncset.done $0x0  }
0xeb: {  	s21 =	rddreg [dreg:$0x7];
	[sflag:s6] =	ssyncadd.s32 $0xFFFF8000  }
0xec: {  	[hbm4b:s21+s3] =	stream.linear.scatter [tilespmem:s25], [sflag:$0x5], $0x4000, $0x38;
	[tilespmem:$0x18100] =	vst v63  }
0xed: {  	_ =	swait.ge [sflag:s6], $0x4000  }
0xee: {  	[sflag:s6] =	ssyncset.done $0x0  }
0xef: {  	s21 =	rddreg [dreg:$0x8];
	[sflag:s6] =	ssyncadd.s32 $0xFFFFC000  }
0xf0: {  	[tilespmem:s3], [sflag:$0x5] =	stream.linear.gather [hbm4b:s21+s3], $0x80, $0x38;
	[tilespmem:$0x18100] =	vst v63  }
0xf1: {  	_ =	swait.ge [sflag:s6], $0x80  }
0xf2: {  	[sflag:s6] =	ssyncset.done $0x0  }
0xf3: {  	[sflag:s6] =	ssyncadd.s32 $0xFFFFFF80  }
0xf4: {  	v3 =	vld [tilespmem:$0x0];
	_ =	sdelay $0x4  }
0xf5: {  	v48 =	vshrl.u32 v3, $0x3  }
0xf6: {  	v4 =	vmul.u32 $0x18, v48  }
0xf7: {  	v3 =	vand.u32 $0x7, v3  }
0xf8: {  	v3 =	vor.u32 v3, v4  }
0xf9: {  	v4 =	vperm.xlane v3, v0;
	_ =	sdelay $0x1  }
0xfa: {  	v3 =	vperm.xlane v3, v2;
	v4 =	vadd.s32 v1, v4;
	_ =	sdelay $0x1  }
0xfb: {  	v3 =	vadd.s32 v1, v3;
	_ =	sdelay $0x2  }
0xfc: {  	[tilespmem:s15], [sflag:$0x1] =	stream.indirect_vreg.gather [hbm4b:s4+s3], $0x80, v4, vm0, $0xb8;
	[tilespmem:$0x18100] =	vst v63  }
0xfd: {  	_ = 	snop  }
0xfe: {  	[tilespmem:s22], [sflag:$0x1] =	stream.indirect_vreg.gather [hbm4b:s4+s3], $0x80, v3, vm0, $0xb8;
	[tilespmem:$0x18100] =	vst v63  }
0xff: {  	v3 =	vld [tilespmem:$0x10];
	_ =	sdelay $0x4  }
0x100: {  	v49 =	vshrl.u32 v3, $0x3  }
0x101: {  	v4 =	vmul.u32 $0x18, v49  }
0x102: {  	v3 =	vand.u32 $0x7, v3  }
0x103: {  	v3 =	vor.u32 v3, v4  }
0x104: {  	v4 =	vperm.xlane v3, v0;
	_ =	sdelay $0x1  }
0x105: {  	v3 =	vperm.xlane v3, v2;
	v4 =	vadd.s32 v1, v4;
	_ =	sdelay $0x1  }
0x106: {  	v3 =	vadd.s32 v1, v3;
	_ =	sdelay $0x2  }
0x107: {  	[tilespmem:s26], [sflag:$0x1] =	stream.indirect_vreg.gather [hbm4b:s4+s3], $0x80, v4, vm0, $0xb8;
	[tilespmem:$0x18100] =	vst v63  }
0x108: {  	_ = 	snop  }
0x109: {  	[tilespmem:s28], [sflag:$0x1] =	stream.indirect_vreg.gather [hbm4b:s4+s3], $0x80, v3, vm0, $0xb8;
	[tilespmem:$0x18100] =	vst v63  }
0x10a: {  	v3 =	vld [tilespmem:$0x20];
	_ =	sdelay $0x4  }
0x10b: {  	v50 =	vshrl.u32 v3, $0x3  }
0x10c: {  	v4 =	vmul.u32 $0x18, v50  }
0x10d: {  	v3 =	vand.u32 $0x7, v3  }
0x10e: {  	v3 =	vor.u32 v3, v4  }
0x10f: {  	v4 =	vperm.xlane v3, v0;
	_ =	sdelay $0x1  }
0x110: {  	v3 =	vperm.xlane v3, v2;
	v4 =	vadd.s32 v1, v4;
	_ =	sdelay $0x1  }
0x111: {  	v3 =	vadd.s32 v1, v3;
	_ =	sdelay $0x2  }
0x112: {  	[tilespmem:s29], [sflag:$0x1] =	stream.indirect_vreg.gather [hbm4b:s4+s3], $0x80, v4, vm0, $0xb8;
	[tilespmem:$0x18100] =	vst v63  }
0x113: {  	_ = 	snop  }
0x114: {  	[tilespmem:s30], [sflag:$0x1] =	stream.indirect_vreg.gather [hbm4b:s4+s3], $0x80, v3, vm0, $0xb8;
	[tilespmem:$0x18100] =	vst v63  }
0x115: {  	v3 =	vld [tilespmem:$0x30];
	_ =	sdelay $0x4  }
0x116: {  	v51 =	vshrl.u32 v3, $0x3  }
0x117: {  	v4 =	vmul.u32 $0x18, v51  }
0x118: {  	v3 =	vand.u32 $0x7, v3  }
0x119: {  	v3 =	vor.u32 v3, v4  }
0x11a: {  	v4 =	vperm.xlane v3, v0;
	_ =	sdelay $0x1  }
0x11b: {  	v3 =	vperm.xlane v3, v2;
	v4 =	vadd.s32 v1, v4;
	_ =	sdelay $0x1  }
0x11c: {  	v3 =	vadd.s32 v1, v3;
	_ =	sdelay $0x2  }
0x11d: {  	[tilespmem:s31], [sflag:$0x1] =	stream.indirect_vreg.gather [hbm4b:s4+s3], $0x80, v4, vm0, $0xb8;
	[tilespmem:$0x18100] =	vst v63  }
0x11e: {  	_ = 	snop  }
0x11f: {  	[tilespmem:s0], [sflag:$0x1] =	stream.indirect_vreg.gather [hbm4b:s4+s3], $0x80, v3, vm0, $0xb8;
	[tilespmem:$0x18100] =	vst v63  }
0x120: {  	v3 =	vld [tilespmem:$0x40];
	_ =	sdelay $0x4  }
0x121: {  	v52 =	vshrl.u32 v3, $0x3  }
0x122: {  	v4 =	vmul.u32 $0x18, v52  }
0x123: {  	v3 =	vand.u32 $0x7, v3  }
0x124: {  	v3 =	vor.u32 v3, v4  }
0x125: {  	v4 =	vperm.xlane v3, v0;
	_ =	sdelay $0x1  }
0x126: {  	v3 =	vperm.xlane v3, v2;
	v4 =	vadd.s32 v1, v4;
	_ =	sdelay $0x1  }
0x127: {  	v3 =	vadd.s32 v1, v3;
	_ =	sdelay $0x2  }
0x128: {  	[tilespmem:s1], [sflag:$0x1] =	stream.indirect_vreg.gather [hbm4b:s4+s3], $0x80, v4, vm0, $0xb8;
	[tilespmem:$0x18100] =	vst v63  }
0x129: {  	_ = 	snop  }
0x12a: {  	[tilespmem:s8], [sflag:$0x1] =	stream.indirect_vreg.gather [hbm4b:s4+s3], $0x80, v3, vm0, $0xb8;
	[tilespmem:$0x18100] =	vst v63  }
0x12b: {  	v3 =	vld [tilespmem:$0x50];
	_ =	sdelay $0x4  }
0x12c: {  	v53 =	vshrl.u32 v3, $0x3  }
0x12d: {  	v4 =	vmul.u32 $0x18, v53  }
0x12e: {  	v3 =	vand.u32 $0x7, v3  }
0x12f: {  	v3 =	vor.u32 v3, v4  }
0x130: {  	v4 =	vperm.xlane v3, v0;
	_ =	sdelay $0x1  }
0x131: {  	v3 =	vperm.xlane v3, v2;
	v4 =	vadd.s32 v1, v4;
	_ =	sdelay $0x1  }
0x132: {  	v3 =	vadd.s32 v1, v3;
	_ =	sdelay $0x2  }
0x133: {  	[tilespmem:s9], [sflag:$0x1] =	stream.indirect_vreg.gather [hbm4b:s4+s3], $0x80, v4, vm0, $0xb8;
	[tilespmem:$0x18100] =	vst v63  }
0x134: {  	_ = 	snop  }
0x135: {  	[tilespmem:s10], [sflag:$0x1] =	stream.indirect_vreg.gather [hbm4b:s4+s3], $0x80, v3, vm0, $0xb8;
	[tilespmem:$0x18100] =	vst v63  }
0x136: {  	v3 =	vld [tilespmem:$0x60];
	_ =	sdelay $0x4  }
0x137: {  	v54 =	vshrl.u32 v3, $0x3  }
0x138: {  	v4 =	vmul.u32 $0x18, v54  }
0x139: {  	v3 =	vand.u32 $0x7, v3  }
0x13a: {  	v3 =	vor.u32 v3, v4  }
0x13b: {  	v4 =	vperm.xlane v3, v0;
	_ =	sdelay $0x1  }
0x13c: {  	v3 =	vperm.xlane v3, v2;
	v4 =	vadd.s32 v1, v4;
	_ =	sdelay $0x1  }
0x13d: {  	v3 =	vadd.s32 v1, v3;
	_ =	sdelay $0x2  }
0x13e: {  	[tilespmem:s11], [sflag:$0x1] =	stream.indirect_vreg.gather [hbm4b:s4+s3], $0x80, v4, vm0, $0xb8;
	[tilespmem:$0x18100] =	vst v63  }
0x13f: {  	_ = 	snop  }
0x140: {  	[tilespmem:s12], [sflag:$0x1] =	stream.indirect_vreg.gather [hbm4b:s4+s3], $0x80, v3, vm0, $0xb8;
	[tilespmem:$0x18100] =	vst v63  }
0x141: {  	v3 =	vld [tilespmem:$0x70];
	_ =	sdelay $0x4  }
0x142: {  	v55 =	vshrl.u32 v3, $0x3  }
0x143: {  	v4 =	vmul.u32 $0x18, v55  }
0x144: {  	v3 =	vand.u32 $0x7, v3  }
0x145: {  	v3 =	vor.u32 v3, v4  }
0x146: {  	v4 =	vperm.xlane v3, v0;
	_ =	sdelay $0x1  }
0x147: {  	v3 =	vperm.xlane v3, v2;
	v4 =	vadd.s32 v1, v4;
	_ =	sdelay $0x1  }
0x148: {  	v3 =	vadd.s32 v1, v3;
	_ =	sdelay $0x2  }
0x149: {  	[tilespmem:s13], [sflag:$0x1] =	stream.indirect_vreg.gather [hbm4b:s4+s3], $0x80, v4, vm0, $0xb8;
	[tilespmem:$0x18100] =	vst v63  }
0x14a: {  	_ = 	snop  }
0x14b: {  	[tilespmem:s14], [sflag:$0x1] =	stream.indirect_vreg.gather [hbm4b:s4+s3], $0x80, v3, vm0, $0xb8;
	[tilespmem:$0x18100] =	vst v63  }
0x14c: {  	_ = 	snop  }
0x14d: {  	[tilespmem:s25], [sflag:$0x3] =	stream.indirect.gather [hbm4b:s7+s17], $0x80, s3, s17, $0xb8;
	[tilespmem:$0x18100] =	vst v63  }
0x14e: {  	_ =	swait.ge [sflag:s19], $0x8000  }
0x14f: {  	[sflag:s19] =	ssyncset.done $0x0  }
0x150: {  	[sflag:s19] =	ssyncadd.s32 $0xFFFF8000  }
0x151: {  	_ =	swait.ge [sflag:s20], $0x4000  }
0x152: {  	[sflag:s20] =	ssyncset.done $0x0  }
0x153: {  	s0 =	rddreg [dreg:$0x9];
	[sflag:s20] =	ssyncadd.s32 $0xFFFFC000  }
0x154: {  	[hbm4b:s0+s3] =	stream.linear.scatter [tilespmem:s16], [sflag:$0x5], $0x8000, $0x38;
	[tilespmem:$0x18100] =	vst v63  }
0x155: {  	_ =	swait.ge [sflag:s6], $0x8000  }
0x156: {  	[sflag:s6] =	ssyncset.done $0x0  }
0x157: {  	s0 =	rddreg [dreg:$0xa];
	[sflag:s6] =	ssyncadd.s32 $0xFFFF8000  }
0x158: {  	[hbm4b:s0+s3] =	stream.linear.scatter [tilespmem:s2], [sflag:$0x5], $0x4000, $0x38;
	[tilespmem:$0x18100] =	vst v63  }
0x159: {  	_ =	swait.ge [sflag:s6], $0x4000  }
0x15a: {  	[sflag:s6] =	ssyncset.done $0x0  }
0x15b: {  	s0 =	rddreg [dreg:$0xb];
	[sflag:s6] =	ssyncadd.s32 $0xFFFFC000  }
0x15c: {  	[tilespmem:s17], [sflag:$0x5] =	stream.linear.gather [hbm4b:s0+s3], $0x80, $0x38;
	[tilespmem:$0x18100] =	vst v63  }
0x15d: {  	_ =	swait.ge [sflag:s6], $0x80  }
0x15e: {  	[sflag:s6] =	ssyncset.done $0x0  }
0x15f: {  	[sflag:s6] =	ssyncadd.s32 $0xFFFFFF80  }
0x160: {  	v3 =	vld [tilespmem:$0x80];
	_ =	sdelay $0x4  }
0x161: {  	v56 =	vshrl.u32 v3, $0x3  }
0x162: {  	v4 =	vmul.u32 $0x18, v56  }
0x163: {  	v3 =	vand.u32 $0x7, v3  }
0x164: {  	v3 =	vor.u32 v3, v4  }
0x165: {  	v4 =	vperm.xlane v3, v0;
	_ =	sdelay $0x1  }
0x166: {  	v3 =	vperm.xlane v3, v2;
	v4 =	vadd.s32 v1, v4;
	_ =	sdelay $0x1  }
0x167: {  	v3 =	vadd.s32 v1, v3;
	_ =	sdelay $0x2  }
0x168: {  	[tilespmem:s16], [sflag:$0x2] =	stream.indirect_vreg.gather [hbm4b:s4+s3], $0x80, v4, vm0, $0xb8;
	[tilespmem:$0x18100] =	vst v63  }
0x169: {  	s21 =	simm.s32 $0x8900  }
0x16a: {  	[tilespmem:s21], [sflag:$0x2] =	stream.indirect_vreg.gather [hbm4b:s4+s3], $0x80, v3, vm0, $0xb8;
	[tilespmem:$0x18100] =	vst v63  }
0x16b: {  	v3 =	vld [tilespmem:$0x90];
	_ =	sdelay $0x4  }
0x16c: {  	v57 =	vshrl.u32 v3, $0x3  }
0x16d: {  	v4 =	vmul.u32 $0x18, v57  }
0x16e: {  	v3 =	vand.u32 $0x7, v3  }
0x16f: {  	v3 =	vor.u32 v3, v4  }
0x170: {  	v4 =	vperm.xlane v3, v0;
	_ =	sdelay $0x1  }
0x171: {  	v3 =	vperm.xlane v3, v2;
	v4 =	vadd.s32 v1, v4;
	_ =	sdelay $0x1  }
0x172: {  	v3 =	vadd.s32 v1, v3;
	_ =	sdelay $0x1  }
0x173: {  	s21 =	simm.s32 $0x9100  }
0x174: {  	[tilespmem:s21], [sflag:$0x2] =	stream.indirect_vreg.gather [hbm4b:s4+s3], $0x80, v4, vm0, $0xb8;
	[tilespmem:$0x18100] =	vst v63  }
0x175: {  	s21 =	simm.s32 $0x9900  }
0x176: {  	[tilespmem:s21], [sflag:$0x2] =	stream.indirect_vreg.gather [hbm4b:s4+s3], $0x80, v3, vm0, $0xb8;
	[tilespmem:$0x18100] =	vst v63  }
0x177: {  	v3 =	vld [tilespmem:$0xA0];
	_ =	sdelay $0x4  }
0x178: {  	v58 =	vshrl.u32 v3, $0x3  }
0x179: {  	v4 =	vmul.u32 $0x18, v58  }
0x17a: {  	v3 =	vand.u32 $0x7, v3  }
0x17b: {  	v3 =	vor.u32 v3, v4  }
0x17c: {  	v4 =	vperm.xlane v3, v0;
	_ =	sdelay $0x1  }
0x17d: {  	v3 =	vperm.xlane v3, v2;
	v4 =	vadd.s32 v1, v4;
	_ =	sdelay $0x1  }
0x17e: {  	v3 =	vadd.s32 v1, v3;
	_ =	sdelay $0x2  }
0x17f: {  	[tilespmem:s24], [sflag:$0x2] =	stream.indirect_vreg.gather [hbm4b:s4+s3], $0x80, v4, vm0, $0xb8;
	[tilespmem:$0x18100] =	vst v63  }
0x180: {  	s21 =	simm.s32 $0xA900  }
0x181: {  	[tilespmem:s21], [sflag:$0x2] =	stream.indirect_vreg.gather [hbm4b:s4+s3], $0x80, v3, vm0, $0xb8;
	[tilespmem:$0x18100] =	vst v63  }
0x182: {  	v3 =	vld [tilespmem:$0xB0];
	_ =	sdelay $0x4  }
0x183: {  	v59 =	vshrl.u32 v3, $0x3  }
0x184: {  	v4 =	vmul.u32 $0x18, v59  }
0x185: {  	v3 =	vand.u32 $0x7, v3  }
0x186: {  	v3 =	vor.u32 v3, v4  }
0x187: {  	v4 =	vperm.xlane v3, v0;
	_ =	sdelay $0x1  }
0x188: {  	v3 =	vperm.xlane v3, v2;
	v4 =	vadd.s32 v1, v4;
	_ =	sdelay $0x1  }
0x189: {  	v3 =	vadd.s32 v1, v3;
	_ =	sdelay $0x1  }
0x18a: {  	s21 =	simm.s32 $0xB100  }
0x18b: {  	[tilespmem:s21], [sflag:$0x2] =	stream.indirect_vreg.gather [hbm4b:s4+s3], $0x80, v4, vm0, $0xb8;
	[tilespmem:$0x18100] =	vst v63  }
0x18c: {  	s21 =	simm.s32 $0xB900  }
0x18d: {  	[tilespmem:s21], [sflag:$0x2] =	stream.indirect_vreg.gather [hbm4b:s4+s3], $0x80, v3, vm0, $0xb8;
	[tilespmem:$0x18100] =	vst v63  }
0x18e: {  	v3 =	vld [tilespmem:$0xC0];
	_ =	sdelay $0x4  }
0x18f: {  	v60 =	vshrl.u32 v3, $0x3  }
0x190: {  	v4 =	vmul.u32 $0x18, v60  }
0x191: {  	v3 =	vand.u32 $0x7, v3  }
0x192: {  	v3 =	vor.u32 v3, v4  }
0x193: {  	v4 =	vperm.xlane v3, v0;
	_ =	sdelay $0x1  }
0x194: {  	v3 =	vperm.xlane v3, v2;
	v4 =	vadd.s32 v1, v4;
	_ =	sdelay $0x1  }
0x195: {  	v3 =	vadd.s32 v1, v3;
	_ =	sdelay $0x1  }
0x196: {  	s21 =	simm.s32 $0xC100  }
0x197: {  	[tilespmem:s21], [sflag:$0x2] =	stream.indirect_vreg.gather [hbm4b:s4+s3], $0x80, v4, vm0, $0xb8;
	[tilespmem:$0x18100] =	vst v63  }
0x198: {  	s21 =	simm.s32 $0xC900  }
0x199: {  	[tilespmem:s21], [sflag:$0x2] =	stream.indirect_vreg.gather [hbm4b:s4+s3], $0x80, v3, vm0, $0xb8;
	[tilespmem:$0x18100] =	vst v63  }
0x19a: {  	v3 =	vld [tilespmem:$0xD0];
	_ =	sdelay $0x4  }
0x19b: {  	v61 =	vshrl.u32 v3, $0x3  }
0x19c: {  	v4 =	vmul.u32 $0x18, v61  }
0x19d: {  	v3 =	vand.u32 $0x7, v3  }
0x19e: {  	v3 =	vor.u32 v3, v4  }
0x19f: {  	v4 =	vperm.xlane v3, v0;
	_ =	sdelay $0x1  }
0x1a0: {  	v3 =	vperm.xlane v3, v2;
	v4 =	vadd.s32 v1, v4;
	_ =	sdelay $0x1  }
0x1a1: {  	v3 =	vadd.s32 v1, v3;
	_ =	sdelay $0x1  }
0x1a2: {  	s21 =	simm.s32 $0xD100  }
0x1a3: {  	[tilespmem:s21], [sflag:$0x2] =	stream.indirect_vreg.gather [hbm4b:s4+s3], $0x80, v4, vm0, $0xb8;
	[tilespmem:$0x18100] =	vst v63  }
0x1a4: {  	s21 =	simm.s32 $0xD900  }
0x1a5: {  	[tilespmem:s21], [sflag:$0x2] =	stream.indirect_vreg.gather [hbm4b:s4+s3], $0x80, v3, vm0, $0xb8;
	[tilespmem:$0x18100] =	vst v63  }
0x1a6: {  	v3 =	vld [tilespmem:$0xE0];
	_ =	sdelay $0x4  }
0x1a7: {  	v62 =	vshrl.u32 v3, $0x3  }
0x1a8: {  	v4 =	vmul.u32 $0x18, v62  }
0x1a9: {  	v3 =	vand.u32 $0x7, v3  }
0x1aa: {  	v3 =	vor.u32 v3, v4  }
0x1ab: {  	v4 =	vperm.xlane v3, v0;
	_ =	sdelay $0x1  }
0x1ac: {  	v3 =	vperm.xlane v3, v2;
	v4 =	vadd.s32 v1, v4;
	_ =	sdelay $0x1  }
0x1ad: {  	v3 =	vadd.s32 v1, v3;
	_ =	sdelay $0x1  }
0x1ae: {  	s21 =	simm.s32 $0xE100  }
0x1af: {  	[tilespmem:s21], [sflag:$0x2] =	stream.indirect_vreg.gather [hbm4b:s4+s3], $0x80, v4, vm0, $0xb8;
	[tilespmem:$0x18100] =	vst v63  }
0x1b0: {  	s21 =	simm.s32 $0xE900  }
0x1b1: {  	[tilespmem:s21], [sflag:$0x2] =	stream.indirect_vreg.gather [hbm4b:s4+s3], $0x80, v3, vm0, $0xb8;
	[tilespmem:$0x18100] =	vst v63  }
0x1b2: {  	v3 =	vld [tilespmem:$0xF0];
	_ =	sdelay $0x4  }
0x1b3: {  	v63 =	vshrl.u32 v3, $0x3  }
0x1b4: {  	v4 =	vmul.u32 $0x18, v63  }
0x1b5: {  	v3 =	vand.u32 $0x7, v3  }
0x1b6: {  	v3 =	vor.u32 v3, v4  }
0x1b7: {  	v4 =	vperm.xlane v3, v0;
	_ =	sdelay $0x1  }
0x1b8: {  	v3 =	vperm.xlane v3, v2;
	v4 =	vadd.s32 v1, v4;
	_ =	sdelay $0x1  }
0x1b9: {  	v3 =	vadd.s32 v1, v3;
	_ =	sdelay $0x1  }
0x1ba: {  	s21 =	simm.s32 $0xF100  }
0x1bb: {  	[tilespmem:s21], [sflag:$0x2] =	stream.indirect_vreg.gather [hbm4b:s4+s3], $0x80, v4, vm0, $0xb8;
	[tilespmem:$0x18100] =	vst v63  }
0x1bc: {  	s21 =	simm.s32 $0xF900  }
0x1bd: {  	[tilespmem:s21], [sflag:$0x2] =	stream.indirect_vreg.gather [hbm4b:s4+s3], $0x80, v3, vm0, $0xb8;
	[tilespmem:$0x18100] =	vst v63  }
0x1be: {  	_ = 	snop  }
0x1bf: {  	[tilespmem:s2], [sflag:$0x4] =	stream.indirect.gather [hbm4b:s7+s17], $0x80, s17, s17, $0xb8;
	[tilespmem:$0x18100] =	vst v63  }
0x1c0: {  	_ =	swait.ge [sflag:s23], $0x8000  }
0x1c1: {  	[sflag:s23] =	ssyncset.done $0x0  }
0x1c2: {  	[sflag:s23] =	ssyncadd.s32 $0xFFFF8000  }
0x1c3: {  	_ =	swait.ge [sflag:s18], $0x4000  }
0x1c4: {  	[sflag:s18] =	ssyncset.done $0x0  }
0x1c5: {  	s15 =	simm.s32 $0x100;
	s7 =	rddreg [dreg:$0xc];
	[sflag:s18] =	ssyncadd.s32 $0xFFFFC000  }
0x1c6: {  	[hbm4b:s7+s3] =	stream.linear.scatter [tilespmem:s15], [sflag:$0x5], $0x8000, $0x38;
	[tilespmem:$0x18100] =	vst v63  }
0x1c7: {  	_ =	swait.ge [sflag:s6], $0x8000  }
0x1c8: {  	[sflag:s6] =	ssyncset.done $0x0  }
0x1c9: {  	s0 =	rddreg [dreg:$0xd];
	[sflag:s6] =	ssyncadd.s32 $0xFFFF8000  }
0x1ca: {  	[hbm4b:s0+s3] =	stream.linear.scatter [tilespmem:s25], [sflag:$0x5], $0x4000, $0x38;
	[tilespmem:$0x18100] =	vst v63  }
0x1cb: {  	_ =	swait.ge [sflag:s6], $0x4000  }
0x1cc: {  	[sflag:s6] =	ssyncset.done $0x0  }
0x1cd: {  	[sflag:s6] =	ssyncadd.s32 $0xFFFFC000  }
0x1ce: {  	_ =	swait.ge [sflag:s19], $0x8000  }
0x1cf: {  	[sflag:s19] =	ssyncset.done $0x0  }
0x1d0: {  	[sflag:s19] =	ssyncadd.s32 $0xFFFF8000  }
0x1d1: {  	_ =	swait.ge [sflag:s20], $0x4000  }
0x1d2: {  	[sflag:s20] =	ssyncset.done $0x0  }
0x1d3: {  	s7 =	rddreg [dreg:$0xe];
	[sflag:s20] =	ssyncadd.s32 $0xFFFFC000  }
0x1d4: {  	[hbm4b:s7+s3] =	stream.linear.scatter [tilespmem:s16], [sflag:$0x5], $0x8000, $0x38;
	[tilespmem:$0x18100] =	vst v63  }
0x1d5: {  	_ =	swait.ge [sflag:s6], $0x8000  }
0x1d6: {  	p0 =	sne.s32 s5, $0x1;
	[sflag:s6] =	ssyncset.done $0x0  }
.Ltmp0:
0x1d7: {  	s15 =	rddreg [dreg:$0xf];
	[sflag:s6] =	ssyncadd.s32 $0xFFFF8000;
	(pc) =	sbr.rel @p0 .LBB2_1-.Ltmp0, $4  }
0x1d8: {  	[hbm4b:s15+s3] =	stream.linear.scatter [tilespmem:s2], [sflag:$0x5], $0x4000, $0x38;
	[tilespmem:$0x18100] =	vst v63  }
0x1d9: {  	_ =	swait.ge [sflag:s6], $0x4000  }
0x1da: {  	[sflag:s6] =	ssyncset.done $0x0  }
0x1db: {  	s5 =	sadd.s32 $0xFFFFFFFF, s5;
	[sflag:s6] =	ssyncadd.s32 $0xFFFFC000  }
0x1dc: {  	_ =	sfence.sel $0x180000  }
0x1dd: {  	[bflag:$0x0] =	sbarrier.arrive $0xFFFF  }
0x1de: {  	_ =	strace $0x90000047  }
0x1df: {  	s0 =	stileid.u32;
	[bflag:$0x2] =	sbarrier.arrive $0xFFFF  }
0x1e0: {  	p0 =	sne.s32 s0, $0x0;
	s0 =	rddreg [dreg:$0x3]  }
0x1e1: {  	s0 =	sadd.s32 @!p0 $0x100000, s0  }
0x1e2: {  	[sflag:s0] =	ssyncadd.tile.s32 @!p0 $0x1;
	_ =	shalt  }
.Lfunc_end2:
_tile_overlayer_lowered:
.L_overlay_start_2:
0x1e3: {  	(tag) =	ssettag $0x2  }
0x1e4: {  	s0 =	rddreg [dreg:$0x0];
	s2 =	stileid.u32  }
0x1e5: {  	s1 =	rddreg [dreg:$0x1];
	p0 =	sne.s32 s2, $0x0  }
0x1e6: {  	s3 =	rddreg [dreg:$0x2];
	[bflag:$0x3] =	sbarrier.arrive $0xFFFF;
	s2 =	simm.s32 @!p0 $0x1C05  }
0x1e7: {  	[timem:s3], [sflag:s2] =	dma.local @!p0 [hbm:s0], s1  }
0x1e8: {  	s0 =	simm.s32 @!p0 $0x5  }
0x1e9: {  	_ =	swait.ge @!p0 [sflag:s0], s1  }
0x1ea: {  	s1 =	ssub.s32 @!p0 $0x0, s1;
	[sflag:s0] =	ssyncset.done @!p0 $0x0  }
0x1eb: {  	[sflag:s0] =	ssyncadd.s32 @!p0 s1  }
0x1ec: {  	[bflag:$0x3] =	sbarrier.arrive $0xFFFF  }
0x1ed: {  	_ =	shalt  }

</sc_bundles>
